<compile_context>
chip_gen: v7x
topology: tpu7x:2x2x1
jax: 0.10.2.dev20260603
libtpu: 0.0.44.dev20260713+nightly
codegen_flags: <defaults>
</compile_context>

<pallas_src>
import functools

import jax
import jax.numpy as jnp
from jax import lax
from jax.experimental import pallas as pl
from jax.experimental.pallas import tpu as pltpu
from jax.experimental.pallas import tpu_sc as plsc

BATCH = 16384
N_FIELDS = 26
NC = 2
NS = 16
L = 16
NW = NC * NS
B_PER_W = BATCH // NW
IDX_PER_W = B_PER_W * N_FIELDS
GROUPS = B_PER_W // L

_mesh = plsc.VectorSubcoreMesh(
    core_axis_name="c", subcore_axis_name="s", num_cores=NC, num_subcores=NS
)


@functools.partial(
    pl.kernel,
    out_type=jax.ShapeDtypeStruct((BATCH,), jnp.float32),
    mesh=_mesh,
    scratch_types=[
        pltpu.VMEM((IDX_PER_W,), jnp.int32),
        pltpu.VMEM((IDX_PER_W,), jnp.float32),
        pltpu.VMEM((B_PER_W,), jnp.float32),
        pltpu.VMEM((L,), jnp.float32),
        pltpu.SemaphoreType.DMA,
    ],
    compiler_params=pltpu.CompilerParams(
        needs_layout_passes=False, use_tc_tiling_on_sc=True
    ),
)
def _lr_kernel(idx_hbm, w_hbm, b_hbm, out_hbm, idx_v, vals_v, out_v, b_v, sem):
    wid = lax.axis_index("s") * NC + lax.axis_index("c")
    base = wid * B_PER_W
    pltpu.sync_copy(b_hbm, b_v)
    idx_copies = [
        pltpu.async_copy(
            idx_hbm.at[f, pl.ds(base, B_PER_W)],
            idx_v.at[pl.ds(f * B_PER_W, B_PER_W)],
            sem,
        )
        for f in range(N_FIELDS)
    ]
    for c in idx_copies:
        c.wait()
    pltpu.async_copy(w_hbm.at[0].at[idx_v], vals_v, sem).wait()

    bvec = b_v[...]

    def body(g, carry):
        accs = [bvec, 0.0, 0.0]
        for f in range(N_FIELDS):
            accs[f % 3] = accs[f % 3] + vals_v[pl.ds(f * B_PER_W + g * L, L)]
        acc = (accs[0] + accs[1]) + accs[2]
        y = 1.0 / (1.0 + jnp.exp(-acc))
        out_v[pl.ds(g * L, L)] = y
        return carry

    lax.fori_loop(0, GROUPS, body, 0)
    pltpu.sync_copy(out_v, out_hbm.at[pl.ds(base, B_PER_W)])


def kernel(indices, w, b):
    idx_t = indices.T.astype(jnp.int32)
    w_t = w.T.astype(jnp.float32)
    b16 = jnp.broadcast_to(b.astype(jnp.float32), (L,))
    return _lr_kernel(idx_t, w_t, b16)

# --- scband reference (transcript-rebuilt; emitter-appended) ---
"""Pipeline reference for scband-lr-16217796509940 (READ-ONLY COPY).

The authoritative reference and input builder live on the scoring server;
editing this copy changes nothing except your own understanding.
"""

import jax, jax.numpy as jnp
import numpy as np

INPUT_DIM = 1000000
OUTPUT_DIM = 1
BATCH = 16384
N_FIELDS = 26


def setup_inputs(seed: int = 0) -> dict:
    key = jax.random.key(seed)
    k_idx, k_w = jax.random.split(key)
    indices = jax.random.randint(k_idx, (BATCH, N_FIELDS), 0, INPUT_DIM, dtype=jnp.int64 if jax.config.jax_enable_x64 else jnp.int32)
    # xavier uniform init for w: maxval = sqrt(6 / (input_dim + output_dim))
    maxval = np.sqrt(6.0 / (INPUT_DIM + OUTPUT_DIM))
    w = jax.random.uniform(k_w, (INPUT_DIM, OUTPUT_DIM), minval=-maxval, maxval=maxval, dtype=jnp.float32)
    b = jnp.zeros((OUTPUT_DIM,), dtype=jnp.float32)
    return {"indices": indices, "w": w, "b": b}


def reference(indices, w, b):
    # Original: X is a sparse [batch, input_dim] one-hot-per-field matrix with values 1.0.
    # tf.sparse_tensor_dense_matmul(X, w) == sum of gathered embedding rows per example.
    gathered = jnp.take(w, indices, axis=0)          # [B, F, output_dim] -- SparseCore gather
    xw = jnp.sum(gathered, axis=1)                   # [B, output_dim]
    logits = jnp.reshape(xw + b, (-1,))              # [B]
    y_prob = jax.nn.sigmoid(logits)
    return y_prob

if __name__ == "__main__":
    import jax
    _d = setup_inputs()
    print(jax.jit(kernel)(*tuple(_d.values())))

</pallas_src>

<mosaic_0001>
#map = affine_map<(d0, d1) -> (0, 0)>
#map1 = affine_map<(d0, d1) -> (0)>
module attributes {stable_mosaic.version = 14 : i64} {
  func.func @_lr_kernel(%arg0: i32, %arg1: i32, %arg2: memref<26x16384xi32, #tpu.memory_space<hbm>>, %arg3: memref<1x1000000xf32, #tpu.memory_space<hbm>>, %arg4: memref<16xf32, #tpu.memory_space<hbm>>, %arg5: memref<16384xf32, #tpu.memory_space<hbm>>, %arg6: memref<13312xi32, #tpu.memory_space<vmem>>, %arg7: memref<13312xf32, #tpu.memory_space<vmem>>, %arg8: memref<512xf32, #tpu.memory_space<vmem>>, %arg9: memref<16xf32, #tpu.memory_space<vmem>>, %arg10: memref<!tpu.dma_semaphore, #tpu.memory_space<semaphore_mem>>) attributes {dimension_semantics = [#tpu.dimension_semantics<core_parallel>, #tpu.dimension_semantics<subcore_parallel>], iteration_bounds = array<i64: 2, 16>, scalar_prefetch = 0 : i64, scratch_operands = 5 : i64, tpu.core_type = #tpu.core_type<sc_vector_subcore>, window_params = [{transform_indices = #map}, {transform_indices = #map}, {transform_indices = #map1}, {transform_indices = #map1}]} {
    %mul3A = arith.constant 2 : i32
    %mul3A_0 = arith.muli %arg1, %mul3A : i32
    %add3A = arith.addi %mul3A_0, %arg0 : i32
    %mul3A_1 = arith.constant 512 : i32
    %mul3A_2 = arith.muli %add3A, %mul3A_1 : i32
    "tpu.region"() ({
      %run_scoped3A = tpu.sem_alloc : memref<!tpu.dma_semaphore, #tpu.memory_space<semaphore_mem>>
      tpu.enqueue_dma source(%arg4 : memref<16xf32, #tpu.memory_space<hbm>>) target(%arg9 : memref<16xf32, #tpu.memory_space<vmem>>) target_semaphore(%run_scoped3A : memref<!tpu.dma_semaphore, #tpu.memory_space<semaphore_mem>>)
      tpu.wait_dma2 semaphore(%run_scoped3A : memref<!tpu.dma_semaphore, #tpu.memory_space<semaphore_mem>>) src(%arg4 : memref<16xf32, #tpu.memory_space<hbm>>) dst(%arg9 : memref<16xf32, #tpu.memory_space<vmem>>)
      tpu.yield
    }) : () -> ()
    %dma_start3A = arith.constant 0 : i32
    %dma_start3A_3 = arith.constant 0 : i32
    %dma_start3A_4 = tpu.memref_slice %arg6[%dma_start3A_3] : memref<13312xi32, #tpu.memory_space<vmem>> -> memref<512xi32, #tpu.memory_space<vmem>>
    %dma_start3A_5 = tpu.memref_slice %arg2[%dma_start3A, %mul3A_2] : memref<26x16384xi32, #tpu.memory_space<hbm>> -> memref<1x512xi32, #tpu.memory_space<hbm>>
    %dma_start3A_6 = tpu.memref_squeeze %dma_start3A_5 : memref<1x512xi32, #tpu.memory_space<hbm>> -> memref<512xi32, #tpu.memory_space<hbm>>
    %dma_start3A_7 = arith.constant 0 : i32
    %dma_start3A_8 = tpu.memref_slice %arg6[%dma_start3A_7] : memref<13312xi32, #tpu.memory_space<vmem>> -> memref<512xi32, #tpu.memory_space<vmem>>
    %dma_start3A_9 = tpu.memref_slice %arg2[%dma_start3A, %mul3A_2] : memref<26x16384xi32, #tpu.memory_space<hbm>> -> memref<1x512xi32, #tpu.memory_space<hbm>>
    %dma_start3A_10 = tpu.memref_squeeze %dma_start3A_9 : memref<1x512xi32, #tpu.memory_space<hbm>> -> memref<512xi32, #tpu.memory_space<hbm>>
    tpu.enqueue_dma source(%dma_start3A_10 : memref<512xi32, #tpu.memory_space<hbm>>) target(%dma_start3A_8 : memref<512xi32, #tpu.memory_space<vmem>>) target_semaphore(%arg10 : memref<!tpu.dma_semaphore, #tpu.memory_space<semaphore_mem>>)
    %dma_start3A_11 = arith.constant 1 : i32
    %dma_start3A_12 = arith.constant 512 : i32
    %dma_start3A_13 = tpu.memref_slice %arg6[%dma_start3A_12] : memref<13312xi32, #tpu.memory_space<vmem>> -> memref<512xi32, #tpu.memory_space<vmem>>
    %dma_start3A_14 = tpu.memref_slice %arg2[%dma_start3A_11, %mul3A_2] : memref<26x16384xi32, #tpu.memory_space<hbm>> -> memref<1x512xi32, #tpu.memory_space<hbm>>
    %dma_start3A_15 = tpu.memref_squeeze %dma_start3A_14 : memref<1x512xi32, #tpu.memory_space<hbm>> -> memref<512xi32, #tpu.memory_space<hbm>>
    %dma_start3A_16 = arith.constant 512 : i32
    %dma_start3A_17 = tpu.memref_slice %arg6[%dma_start3A_16] : memref<13312xi32, #tpu.memory_space<vmem>> -> memref<512xi32, #tpu.memory_space<vmem>>
    %dma_start3A_18 = tpu.memref_slice %arg2[%dma_start3A_11, %mul3A_2] : memref<26x16384xi32, #tpu.memory_space<hbm>> -> memref<1x512xi32, #tpu.memory_space<hbm>>
    %dma_start3A_19 = tpu.memref_squeeze %dma_start3A_18 : memref<1x512xi32, #tpu.memory_space<hbm>> -> memref<512xi32, #tpu.memory_space<hbm>>
    tpu.enqueue_dma source(%dma_start3A_19 : memref<512xi32, #tpu.memory_space<hbm>>) target(%dma_start3A_17 : memref<512xi32, #tpu.memory_space<vmem>>) target_semaphore(%arg10 : memref<!tpu.dma_semaphore, #tpu.memory_space<semaphore_mem>>)
    %dma_start3A_20 = arith.constant 2 : i32
    %dma_start3A_21 = arith.constant 1024 : i32
    %dma_start3A_22 = tpu.memref_slice %arg6[%dma_start3A_21] : memref<13312xi32, #tpu.memory_space<vmem>> -> memref<512xi32, #tpu.memory_space<vmem>>
    %dma_start3A_23 = tpu.memref_slice %arg2[%dma_start3A_20, %mul3A_2] : memref<26x16384xi32, #tpu.memory_space<hbm>> -> memref<1x512xi32, #tpu.memory_space<hbm>>
    %dma_start3A_24 = tpu.memref_squeeze %dma_start3A_23 : memref<1x512xi32, #tpu.memory_space<hbm>> -> memref<512xi32, #tpu.memory_space<hbm>>
    %dma_start3A_25 = arith.constant 1024 : i32
    %dma_start3A_26 = tpu.memref_slice %arg6[%dma_start3A_25] : memref<13312xi32, #tpu.memory_space<vmem>> -> memref<512xi32, #tpu.memory_space<vmem>>
    %dma_start3A_27 = tpu.memref_slice %arg2[%dma_start3A_20, %mul3A_2] : memref<26x16384xi32, #tpu.memory_space<hbm>> -> memref<1x512xi32, #tpu.memory_space<hbm>>
    %dma_start3A_28 = tpu.memref_squeeze %dma_start3A_27 : memref<1x512xi32, #tpu.memory_space<hbm>> -> memref<512xi32, #tpu.memory_space<hbm>>
    tpu.enqueue_dma source(%dma_start3A_28 : memref<512xi32, #tpu.memory_space<hbm>>) target(%dma_start3A_26 : memref<512xi32, #tpu.memory_space<vmem>>) target_semaphore(%arg10 : memref<!tpu.dma_semaphore, #tpu.memory_space<semaphore_mem>>)
    %dma_start3A_29 = arith.constant 3 : i32
    %dma_start3A_30 = arith.constant 1536 : i32
    %dma_start3A_31 = tpu.memref_slice %arg6[%dma_start3A_30] : memref<13312xi32, #tpu.memory_space<vmem>> -> memref<512xi32, #tpu.memory_space<vmem>>
    %dma_start3A_32 = tpu.memref_slice %arg2[%dma_start3A_29, %mul3A_2] : memref<26x16384xi32, #tpu.memory_space<hbm>> -> memref<1x512xi32, #tpu.memory_space<hbm>>
    %dma_start3A_33 = tpu.memref_squeeze %dma_start3A_32 : memref<1x512xi32, #tpu.memory_space<hbm>> -> memref<512xi32, #tpu.memory_space<hbm>>
    %dma_start3A_34 = arith.constant 1536 : i32
    %dma_start3A_35 = tpu.memref_slice %arg6[%dma_start3A_34] : memref<13312xi32, #tpu.memory_space<vmem>> -> memref<512xi32, #tpu.memory_space<vmem>>
    %dma_start3A_36 = tpu.memref_slice %arg2[%dma_start3A_29, %mul3A_2] : memref<26x16384xi32, #tpu.memory_space<hbm>> -> memref<1x512xi32, #tpu.memory_space<hbm>>
    %dma_start3A_37 = tpu.memref_squeeze %dma_start3A_36 : memref<1x512xi32, #tpu.memory_space<hbm>> -> memref<512xi32, #tpu.memory_space<hbm>>
    tpu.enqueue_dma source(%dma_start3A_37 : memref<512xi32, #tpu.memory_space<hbm>>) target(%dma_start3A_35 : memref<512xi32, #tpu.memory_space<vmem>>) target_semaphore(%arg10 : memref<!tpu.dma_semaphore, #tpu.memory_space<semaphore_mem>>)
    %dma_start3A_38 = arith.constant 4 : i32
    %dma_start3A_39 = arith.constant 2048 : i32
    %dma_start3A_40 = tpu.memref_slice %arg6[%dma_start3A_39] : memref<13312xi32, #tpu.memory_space<vmem>> -> memref<512xi32, #tpu.memory_space<vmem>>
    %dma_start3A_41 = tpu.memref_slice %arg2[%dma_start3A_38, %mul3A_2] : memref<26x16384xi32, #tpu.memory_space<hbm>> -> memref<1x512xi32, #tpu.memory_space<hbm>>
    %dma_start3A_42 = tpu.memref_squeeze %dma_start3A_41 : memref<1x512xi32, #tpu.memory_space<hbm>> -> memref<512xi32, #tpu.memory_space<hbm>>
    %dma_start3A_43 = arith.constant 2048 : i32
    %dma_start3A_44 = tpu.memref_slice %arg6[%dma_start3A_43] : memref<13312xi32, #tpu.memory_space<vmem>> -> memref<512xi32, #tpu.memory_space<vmem>>
    %dma_start3A_45 = tpu.memref_slice %arg2[%dma_start3A_38, %mul3A_2] : memref<26x16384xi32, #tpu.memory_space<hbm>> -> memref<1x512xi32, #tpu.memory_space<hbm>>
    %dma_start3A_46 = tpu.memref_squeeze %dma_start3A_45 : memref<1x512xi32, #tpu.memory_space<hbm>> -> memref<512xi32, #tpu.memory_space<hbm>>
    tpu.enqueue_dma source(%dma_start3A_46 : memref<512xi32, #tpu.memory_space<hbm>>) target(%dma_start3A_44 : memref<512xi32, #tpu.memory_space<vmem>>) target_semaphore(%arg10 : memref<!tpu.dma_semaphore, #tpu.memory_space<semaphore_mem>>)
    %dma_start3A_47 = arith.constant 5 : i32
    %dma_start3A_48 = arith.constant 2560 : i32
    %dma_start3A_49 = tpu.memref_slice %arg6[%dma_start3A_48] : memref<13312xi32, #tpu.memory_space<vmem>> -> memref<512xi32, #tpu.memory_space<vmem>>
    %dma_start3A_50 = tpu.memref_slice %arg2[%dma_start3A_47, %mul3A_2] : memref<26x16384xi32, #tpu.memory_space<hbm>> -> memref<1x512xi32, #tpu.memory_space<hbm>>
    %dma_start3A_51 = tpu.memref_squeeze %dma_start3A_50 : memref<1x512xi32, #tpu.memory_space<hbm>> -> memref<512xi32, #tpu.memory_space<hbm>>
    %dma_start3A_52 = arith.constant 2560 : i32
    %dma_start3A_53 = tpu.memref_slice %arg6[%dma_start3A_52] : memref<13312xi32, #tpu.memory_space<vmem>> -> memref<512xi32, #tpu.memory_space<vmem>>
    %dma_start3A_54 = tpu.memref_slice %arg2[%dma_start3A_47, %mul3A_2] : memref<26x16384xi32, #tpu.memory_space<hbm>> -> memref<1x512xi32, #tpu.memory_space<hbm>>
    %dma_start3A_55 = tpu.memref_squeeze %dma_start3A_54 : memref<1x512xi32, #tpu.memory_space<hbm>> -> memref<512xi32, #tpu.memory_space<hbm>>
    tpu.enqueue_dma source(%dma_start3A_55 : memref<512xi32, #tpu.memory_space<hbm>>) target(%dma_start3A_53 : memref<512xi32, #tpu.memory_space<vmem>>) target_semaphore(%arg10 : memref<!tpu.dma_semaphore, #tpu.memory_space<semaphore_mem>>)
    %dma_start3A_56 = arith.constant 6 : i32
    %dma_start3A_57 = arith.constant 3072 : i32
    %dma_start3A_58 = tpu.memref_slice %arg6[%dma_start3A_57] : memref<13312xi32, #tpu.memory_space<vmem>> -> memref<512xi32, #tpu.memory_space<vmem>>
    %dma_start3A_59 = tpu.memref_slice %arg2[%dma_start3A_56, %mul3A_2] : memref<26x16384xi32, #tpu.memory_space<hbm>> -> memref<1x512xi32, #tpu.memory_space<hbm>>
    %dma_start3A_60 = tpu.memref_squeeze %dma_start3A_59 : memref<1x512xi32, #tpu.memory_space<hbm>> -> memref<512xi32, #tpu.memory_space<hbm>>
    %dma_start3A_61 = arith.constant 3072 : i32
    %dma_start3A_62 = tpu.memref_slice %arg6[%dma_start3A_61] : memref<13312xi32, #tpu.memory_space<vmem>> -> memref<512xi32, #tpu.memory_space<vmem>>
    %dma_start3A_63 = tpu.memref_slice %arg2[%dma_start3A_56, %mul3A_2] : memref<26x16384xi32, #tpu.memory_space<hbm>> -> memref<1x512xi32, #tpu.memory_space<hbm>>
    %dma_start3A_64 = tpu.memref_squeeze %dma_start3A_63 : memref<1x512xi32, #tpu.memory_space<hbm>> -> memref<512xi32, #tpu.memory_space<hbm>>
    tpu.enqueue_dma source(%dma_start3A_64 : memref<512xi32, #tpu.memory_space<hbm>>) target(%dma_start3A_62 : memref<512xi32, #tpu.memory_space<vmem>>) target_semaphore(%arg10 : memref<!tpu.dma_semaphore, #tpu.memory_space<semaphore_mem>>)
    %dma_start3A_65 = arith.constant 7 : i32
    %dma_start3A_66 = arith.constant 3584 : i32
    %dma_start3A_67 = tpu.memref_slice %arg6[%dma_start3A_66] : memref<13312xi32, #tpu.memory_space<vmem>> -> memref<512xi32, #tpu.memory_space<vmem>>
    %dma_start3A_68 = tpu.memref_slice %arg2[%dma_start3A_65, %mul3A_2] : memref<26x16384xi32, #tpu.memory_space<hbm>> -> memref<1x512xi32, #tpu.memory_space<hbm>>
    %dma_start3A_69 = tpu.memref_squeeze %dma_start3A_68 : memref<1x512xi32, #tpu.memory_space<hbm>> -> memref<512xi32, #tpu.memory_space<hbm>>
    %dma_start3A_70 = arith.constant 3584 : i32
    %dma_start3A_71 = tpu.memref_slice %arg6[%dma_start3A_70] : memref<13312xi32, #tpu.memory_space<vmem>> -> memref<512xi32, #tpu.memory_space<vmem>>
    %dma_start3A_72 = tpu.memref_slice %arg2[%dma_start3A_65, %mul3A_2] : memref<26x16384xi32, #tpu.memory_space<hbm>> -> memref<1x512xi32, #tpu.memory_space<hbm>>
    %dma_start3A_73 = tpu.memref_squeeze %dma_start3A_72 : memref<1x512xi32, #tpu.memory_space<hbm>> -> memref<512xi32, #tpu.memory_space<hbm>>
    tpu.enqueue_dma source(%dma_start3A_73 : memref<512xi32, #tpu.memory_space<hbm>>) target(%dma_start3A_71 : memref<512xi32, #tpu.memory_space<vmem>>) target_semaphore(%arg10 : memref<!tpu.dma_semaphore, #tpu.memory_space<semaphore_mem>>)
    %dma_start3A_74 = arith.constant 8 : i32
    %dma_start3A_75 = arith.constant 4096 : i32
    %dma_start3A_76 = tpu.memref_slice %arg6[%dma_start3A_75] : memref<13312xi32, #tpu.memory_space<vmem>> -> memref<512xi32, #tpu.memory_space<vmem>>
    %dma_start3A_77 = tpu.memref_slice %arg2[%dma_start3A_74, %mul3A_2] : memref<26x16384xi32, #tpu.memory_space<hbm>> -> memref<1x512xi32, #tpu.memory_space<hbm>>
    %dma_start3A_78 = tpu.memref_squeeze %dma_start3A_77 : memref<1x512xi32, #tpu.memory_space<hbm>> -> memref<512xi32, #tpu.memory_space<hbm>>
    %dma_start3A_79 = arith.constant 4096 : i32
    %dma_start3A_80 = tpu.memref_slice %arg6[%dma_start3A_79] : memref<13312xi32, #tpu.memory_space<vmem>> -> memref<512xi32, #tpu.memory_space<vmem>>
    %dma_start3A_81 = tpu.memref_slice %arg2[%dma_start3A_74, %mul3A_2] : memref<26x16384xi32, #tpu.memory_space<hbm>> -> memref<1x512xi32, #tpu.memory_space<hbm>>
    %dma_start3A_82 = tpu.memref_squeeze %dma_start3A_81 : memref<1x512xi32, #tpu.memory_space<hbm>> -> memref<512xi32, #tpu.memory_space<hbm>>
    tpu.enqueue_dma source(%dma_start3A_82 : memref<512xi32, #tpu.memory_space<hbm>>) target(%dma_start3A_80 : memref<512xi32, #tpu.memory_space<vmem>>) target_semaphore(%arg10 : memref<!tpu.dma_semaphore, #tpu.memory_space<semaphore_mem>>)
    %dma_start3A_83 = arith.constant 9 : i32
    %dma_start3A_84 = arith.constant 4608 : i32
    %dma_start3A_85 = tpu.memref_slice %arg6[%dma_start3A_84] : memref<13312xi32, #tpu.memory_space<vmem>> -> memref<512xi32, #tpu.memory_space<vmem>>
    %dma_start3A_86 = tpu.memref_slice %arg2[%dma_start3A_83, %mul3A_2] : memref<26x16384xi32, #tpu.memory_space<hbm>> -> memref<1x512xi32, #tpu.memory_space<hbm>>
    %dma_start3A_87 = tpu.memref_squeeze %dma_start3A_86 : memref<1x512xi32, #tpu.memory_space<hbm>> -> memref<512xi32, #tpu.memory_space<hbm>>
    %dma_start3A_88 = arith.constant 4608 : i32
    %dma_start3A_89 = tpu.memref_slice %arg6[%dma_start3A_88] : memref<13312xi32, #tpu.memory_space<vmem>> -> memref<512xi32, #tpu.memory_space<vmem>>
    %dma_start3A_90 = tpu.memref_slice %arg2[%dma_start3A_83, %mul3A_2] : memref<26x16384xi32, #tpu.memory_space<hbm>> -> memref<1x512xi32, #tpu.memory_space<hbm>>
    %dma_start3A_91 = tpu.memref_squeeze %dma_start3A_90 : memref<1x512xi32, #tpu.memory_space<hbm>> -> memref<512xi32, #tpu.memory_space<hbm>>
    tpu.enqueue_dma source(%dma_start3A_91 : memref<512xi32, #tpu.memory_space<hbm>>) target(%dma_start3A_89 : memref<512xi32, #tpu.memory_space<vmem>>) target_semaphore(%arg10 : memref<!tpu.dma_semaphore, #tpu.memory_space<semaphore_mem>>)
    %dma_start3A_92 = arith.constant 10 : i32
    %dma_start3A_93 = arith.constant 5120 : i32
    %dma_start3A_94 = tpu.memref_slice %arg6[%dma_start3A_93] : memref<13312xi32, #tpu.memory_space<vmem>> -> memref<512xi32, #tpu.memory_space<vmem>>
    %dma_start3A_95 = tpu.memref_slice %arg2[%dma_start3A_92, %mul3A_2] : memref<26x16384xi32, #tpu.memory_space<hbm>> -> memref<1x512xi32, #tpu.memory_space<hbm>>
    %dma_start3A_96 = tpu.memref_squeeze %dma_start3A_95 : memref<1x512xi32, #tpu.memory_space<hbm>> -> memref<512xi32, #tpu.memory_space<hbm>>
    %dma_start3A_97 = arith.constant 5120 : i32
    %dma_start3A_98 = tpu.memref_slice %arg6[%dma_start3A_97] : memref<13312xi32, #tpu.memory_space<vmem>> -> memref<512xi32, #tpu.memory_space<vmem>>
    %dma_start3A_99 = tpu.memref_slice %arg2[%dma_start3A_92, %mul3A_2] : memref<26x16384xi32, #tpu.memory_space<hbm>> -> memref<1x512xi32, #tpu.memory_space<hbm>>
    %dma_start3A_100 = tpu.memref_squeeze %dma_start3A_99 : memref<1x512xi32, #tpu.memory_space<hbm>> -> memref<512xi32, #tpu.memory_space<hbm>>
    tpu.enqueue_dma source(%dma_start3A_100 : memref<512xi32, #tpu.memory_space<hbm>>) target(%dma_start3A_98 : memref<512xi32, #tpu.memory_space<vmem>>) target_semaphore(%arg10 : memref<!tpu.dma_semaphore, #tpu.memory_space<semaphore_mem>>)
    %dma_start3A_101 = arith.constant 11 : i32
    %dma_start3A_102 = arith.constant 5632 : i32
    %dma_start3A_103 = tpu.memref_slice %arg6[%dma_start3A_102] : memref<13312xi32, #tpu.memory_space<vmem>> -> memref<512xi32, #tpu.memory_space<vmem>>
    %dma_start3A_104 = tpu.memref_slice %arg2[%dma_start3A_101, %mul3A_2] : memref<26x16384xi32, #tpu.memory_space<hbm>> -> memref<1x512xi32, #tpu.memory_space<hbm>>
    %dma_start3A_105 = tpu.memref_squeeze %dma_start3A_104 : memref<1x512xi32, #tpu.memory_space<hbm>> -> memref<512xi32, #tpu.memory_space<hbm>>
    %dma_start3A_106 = arith.constant 5632 : i32
    %dma_start3A_107 = tpu.memref_slice %arg6[%dma_start3A_106] : memref<13312xi32, #tpu.memory_space<vmem>> -> memref<512xi32, #tpu.memory_space<vmem>>
    %dma_start3A_108 = tpu.memref_slice %arg2[%dma_start3A_101, %mul3A_2] : memref<26x16384xi32, #tpu.memory_space<hbm>> -> memref<1x512xi32, #tpu.memory_space<hbm>>
    %dma_start3A_109 = tpu.memref_squeeze %dma_start3A_108 : memref<1x512xi32, #tpu.memory_space<hbm>> -> memref<512xi32, #tpu.memory_space<hbm>>
    tpu.enqueue_dma source(%dma_start3A_109 : memref<512xi32, #tpu.memory_space<hbm>>) target(%dma_start3A_107 : memref<512xi32, #tpu.memory_space<vmem>>) target_semaphore(%arg10 : memref<!tpu.dma_semaphore, #tpu.memory_space<semaphore_mem>>)
    %dma_start3A_110 = arith.constant 12 : i32
    %dma_start3A_111 = arith.constant 6144 : i32
    %dma_start3A_112 = tpu.memref_slice %arg6[%dma_start3A_111] : memref<13312xi32, #tpu.memory_space<vmem>> -> memref<512xi32, #tpu.memory_space<vmem>>
    %dma_start3A_113 = tpu.memref_slice %arg2[%dma_start3A_110, %mul3A_2] : memref<26x16384xi32, #tpu.memory_space<hbm>> -> memref<1x512xi32, #tpu.memory_space<hbm>>
    %dma_start3A_114 = tpu.memref_squeeze %dma_start3A_113 : memref<1x512xi32, #tpu.memory_space<hbm>> -> memref<512xi32, #tpu.memory_space<hbm>>
    %dma_start3A_115 = arith.constant 6144 : i32
    %dma_start3A_116 = tpu.memref_slice %arg6[%dma_start3A_115] : memref<13312xi32, #tpu.memory_space<vmem>> -> memref<512xi32, #tpu.memory_space<vmem>>
    %dma_start3A_117 = tpu.memref_slice %arg2[%dma_start3A_110, %mul3A_2] : memref<26x16384xi32, #tpu.memory_space<hbm>> -> memref<1x512xi32, #tpu.memory_space<hbm>>
    %dma_start3A_118 = tpu.memref_squeeze %dma_start3A_117 : memref<1x512xi32, #tpu.memory_space<hbm>> -> memref<512xi32, #tpu.memory_space<hbm>>
    tpu.enqueue_dma source(%dma_start3A_118 : memref<512xi32, #tpu.memory_space<hbm>>) target(%dma_start3A_116 : memref<512xi32, #tpu.memory_space<vmem>>) target_semaphore(%arg10 : memref<!tpu.dma_semaphore, #tpu.memory_space<semaphore_mem>>)
    %dma_start3A_119 = arith.constant 13 : i32
    %dma_start3A_120 = arith.constant 6656 : i32
    %dma_start3A_121 = tpu.memref_slice %arg6[%dma_start3A_120] : memref<13312xi32, #tpu.memory_space<vmem>> -> memref<512xi32, #tpu.memory_space<vmem>>
    %dma_start3A_122 = tpu.memref_slice %arg2[%dma_start3A_119, %mul3A_2] : memref<26x16384xi32, #tpu.memory_space<hbm>> -> memref<1x512xi32, #tpu.memory_space<hbm>>
    %dma_start3A_123 = tpu.memref_squeeze %dma_start3A_122 : memref<1x512xi32, #tpu.memory_space<hbm>> -> memref<512xi32, #tpu.memory_space<hbm>>
    %dma_start3A_124 = arith.constant 6656 : i32
    %dma_start3A_125 = tpu.memref_slice %arg6[%dma_start3A_124] : memref<13312xi32, #tpu.memory_space<vmem>> -> memref<512xi32, #tpu.memory_space<vmem>>
    %dma_start3A_126 = tpu.memref_slice %arg2[%dma_start3A_119, %mul3A_2] : memref<26x16384xi32, #tpu.memory_space<hbm>> -> memref<1x512xi32, #tpu.memory_space<hbm>>
    %dma_start3A_127 = tpu.memref_squeeze %dma_start3A_126 : memref<1x512xi32, #tpu.memory_space<hbm>> -> memref<512xi32, #tpu.memory_space<hbm>>
    tpu.enqueue_dma source(%dma_start3A_127 : memref<512xi32, #tpu.memory_space<hbm>>) target(%dma_start3A_125 : memref<512xi32, #tpu.memory_space<vmem>>) target_semaphore(%arg10 : memref<!tpu.dma_semaphore, #tpu.memory_space<semaphore_mem>>)
    %dma_start3A_128 = arith.constant 14 : i32
    %dma_start3A_129 = arith.constant 7168 : i32
    %dma_start3A_130 = tpu.memref_slice %arg6[%dma_start3A_129] : memref<13312xi32, #tpu.memory_space<vmem>> -> memref<512xi32, #tpu.memory_space<vmem>>
    %dma_start3A_131 = tpu.memref_slice %arg2[%dma_start3A_128, %mul3A_2] : memref<26x16384xi32, #tpu.memory_space<hbm>> -> memref<1x512xi32, #tpu.memory_space<hbm>>
    %dma_start3A_132 = tpu.memref_squeeze %dma_start3A_131 : memref<1x512xi32, #tpu.memory_space<hbm>> -> memref<512xi32, #tpu.memory_space<hbm>>
    %dma_start3A_133 = arith.constant 7168 : i32
    %dma_start3A_134 = tpu.memref_slice %arg6[%dma_start3A_133] : memref<13312xi32, #tpu.memory_space<vmem>> -> memref<512xi32, #tpu.memory_space<vmem>>
    %dma_start3A_135 = tpu.memref_slice %arg2[%dma_start3A_128, %mul3A_2] : memref<26x16384xi32, #tpu.memory_space<hbm>> -> memref<1x512xi32, #tpu.memory_space<hbm>>
    %dma_start3A_136 = tpu.memref_squeeze %dma_start3A_135 : memref<1x512xi32, #tpu.memory_space<hbm>> -> memref<512xi32, #tpu.memory_space<hbm>>
    tpu.enqueue_dma source(%dma_start3A_136 : memref<512xi32, #tpu.memory_space<hbm>>) target(%dma_start3A_134 : memref<512xi32, #tpu.memory_space<vmem>>) target_semaphore(%arg10 : memref<!tpu.dma_semaphore, #tpu.memory_space<semaphore_mem>>)
    %dma_start3A_137 = arith.constant 15 : i32
    %dma_start3A_138 = arith.constant 7680 : i32
    %dma_start3A_139 = tpu.memref_slice %arg6[%dma_start3A_138] : memref<13312xi32, #tpu.memory_space<vmem>> -> memref<512xi32, #tpu.memory_space<vmem>>
    %dma_start3A_140 = tpu.memref_slice %arg2[%dma_start3A_137, %mul3A_2] : memref<26x16384xi32, #tpu.memory_space<hbm>> -> memref<1x512xi32, #tpu.memory_space<hbm>>
    %dma_start3A_141 = tpu.memref_squeeze %dma_start3A_140 : memref<1x512xi32, #tpu.memory_space<hbm>> -> memref<512xi32, #tpu.memory_space<hbm>>
    %dma_start3A_142 = arith.constant 7680 : i32
    %dma_start3A_143 = tpu.memref_slice %arg6[%dma_start3A_142] : memref<13312xi32, #tpu.memory_space<vmem>> -> memref<512xi32, #tpu.memory_space<vmem>>
    %dma_start3A_144 = tpu.memref_slice %arg2[%dma_start3A_137, %mul3A_2] : memref<26x16384xi32, #tpu.memory_space<hbm>> -> memref<1x512xi32, #tpu.memory_space<hbm>>
    %dma_start3A_145 = tpu.memref_squeeze %dma_start3A_144 : memref<1x512xi32, #tpu.memory_space<hbm>> -> memref<512xi32, #tpu.memory_space<hbm>>
    tpu.enqueue_dma source(%dma_start3A_145 : memref<512xi32, #tpu.memory_space<hbm>>) target(%dma_start3A_143 : memref<512xi32, #tpu.memory_space<vmem>>) target_semaphore(%arg10 : memref<!tpu.dma_semaphore, #tpu.memory_space<semaphore_mem>>)
    %dma_start3A_146 = arith.constant 16 : i32
    %dma_start3A_147 = arith.constant 8192 : i32
    %dma_start3A_148 = tpu.memref_slice %arg6[%dma_start3A_147] : memref<13312xi32, #tpu.memory_space<vmem>> -> memref<512xi32, #tpu.memory_space<vmem>>
    %dma_start3A_149 = tpu.memref_slice %arg2[%dma_start3A_146, %mul3A_2] : memref<26x16384xi32, #tpu.memory_space<hbm>> -> memref<1x512xi32, #tpu.memory_space<hbm>>
    %dma_start3A_150 = tpu.memref_squeeze %dma_start3A_149 : memref<1x512xi32, #tpu.memory_space<hbm>> -> memref<512xi32, #tpu.memory_space<hbm>>
    %dma_start3A_151 = arith.constant 8192 : i32
    %dma_start3A_152 = tpu.memref_slice %arg6[%dma_start3A_151] : memref<13312xi32, #tpu.memory_space<vmem>> -> memref<512xi32, #tpu.memory_space<vmem>>
    %dma_start3A_153 = tpu.memref_slice %arg2[%dma_start3A_146, %mul3A_2] : memref<26x16384xi32, #tpu.memory_space<hbm>> -> memref<1x512xi32, #tpu.memory_space<hbm>>
    %dma_start3A_154 = tpu.memref_squeeze %dma_start3A_153 : memref<1x512xi32, #tpu.memory_space<hbm>> -> memref<512xi32, #tpu.memory_space<hbm>>
    tpu.enqueue_dma source(%dma_start3A_154 : memref<512xi32, #tpu.memory_space<hbm>>) target(%dma_start3A_152 : memref<512xi32, #tpu.memory_space<vmem>>) target_semaphore(%arg10 : memref<!tpu.dma_semaphore, #tpu.memory_space<semaphore_mem>>)
    %dma_start3A_155 = arith.constant 17 : i32
    %dma_start3A_156 = arith.constant 8704 : i32
    %dma_start3A_157 = tpu.memref_slice %arg6[%dma_start3A_156] : memref<13312xi32, #tpu.memory_space<vmem>> -> memref<512xi32, #tpu.memory_space<vmem>>
    %dma_start3A_158 = tpu.memref_slice %arg2[%dma_start3A_155, %mul3A_2] : memref<26x16384xi32, #tpu.memory_space<hbm>> -> memref<1x512xi32, #tpu.memory_space<hbm>>
    %dma_start3A_159 = tpu.memref_squeeze %dma_start3A_158 : memref<1x512xi32, #tpu.memory_space<hbm>> -> memref<512xi32, #tpu.memory_space<hbm>>
    %dma_start3A_160 = arith.constant 8704 : i32
    %dma_start3A_161 = tpu.memref_slice %arg6[%dma_start3A_160] : memref<13312xi32, #tpu.memory_space<vmem>> -> memref<512xi32, #tpu.memory_space<vmem>>
    %dma_start3A_162 = tpu.memref_slice %arg2[%dma_start3A_155, %mul3A_2] : memref<26x16384xi32, #tpu.memory_space<hbm>> -> memref<1x512xi32, #tpu.memory_space<hbm>>
    %dma_start3A_163 = tpu.memref_squeeze %dma_start3A_162 : memref<1x512xi32, #tpu.memory_space<hbm>> -> memref<512xi32, #tpu.memory_space<hbm>>
    tpu.enqueue_dma source(%dma_start3A_163 : memref<512xi32, #tpu.memory_space<hbm>>) target(%dma_start3A_161 : memref<512xi32, #tpu.memory_space<vmem>>) target_semaphore(%arg10 : memref<!tpu.dma_semaphore, #tpu.memory_space<semaphore_mem>>)
    %dma_start3A_164 = arith.constant 18 : i32
    %dma_start3A_165 = arith.constant 9216 : i32
    %dma_start3A_166 = tpu.memref_slice %arg6[%dma_start3A_165] : memref<13312xi32, #tpu.memory_space<vmem>> -> memref<512xi32, #tpu.memory_space<vmem>>
    %dma_start3A_167 = tpu.memref_slice %arg2[%dma_start3A_164, %mul3A_2] : memref<26x16384xi32, #tpu.memory_space<hbm>> -> memref<1x512xi32, #tpu.memory_space<hbm>>
    %dma_start3A_168 = tpu.memref_squeeze %dma_start3A_167 : memref<1x512xi32, #tpu.memory_space<hbm>> -> memref<512xi32, #tpu.memory_space<hbm>>
    %dma_start3A_169 = arith.constant 9216 : i32
    %dma_start3A_170 = tpu.memref_slice %arg6[%dma_start3A_169] : memref<13312xi32, #tpu.memory_space<vmem>> -> memref<512xi32, #tpu.memory_space<vmem>>
    %dma_start3A_171 = tpu.memref_slice %arg2[%dma_start3A_164, %mul3A_2] : memref<26x16384xi32, #tpu.memory_space<hbm>> -> memref<1x512xi32, #tpu.memory_space<hbm>>
    %dma_start3A_172 = tpu.memref_squeeze %dma_start3A_171 : memref<1x512xi32, #tpu.memory_space<hbm>> -> memref<512xi32, #tpu.memory_space<hbm>>
    tpu.enqueue_dma source(%dma_start3A_172 : memref<512xi32, #tpu.memory_space<hbm>>) target(%dma_start3A_170 : memref<512xi32, #tpu.memory_space<vmem>>) target_semaphore(%arg10 : memref<!tpu.dma_semaphore, #tpu.memory_space<semaphore_mem>>)
    %dma_start3A_173 = arith.constant 19 : i32
    %dma_start3A_174 = arith.constant 9728 : i32
    %dma_start3A_175 = tpu.memref_slice %arg6[%dma_start3A_174] : memref<13312xi32, #tpu.memory_space<vmem>> -> memref<512xi32, #tpu.memory_space<vmem>>
    %dma_start3A_176 = tpu.memref_slice %arg2[%dma_start3A_173, %mul3A_2] : memref<26x16384xi32, #tpu.memory_space<hbm>> -> memref<1x512xi32, #tpu.memory_space<hbm>>
    %dma_start3A_177 = tpu.memref_squeeze %dma_start3A_176 : memref<1x512xi32, #tpu.memory_space<hbm>> -> memref<512xi32, #tpu.memory_space<hbm>>
    %dma_start3A_178 = arith.constant 9728 : i32
    %dma_start3A_179 = tpu.memref_slice %arg6[%dma_start3A_178] : memref<13312xi32, #tpu.memory_space<vmem>> -> memref<512xi32, #tpu.memory_space<vmem>>
    %dma_start3A_180 = tpu.memref_slice %arg2[%dma_start3A_173, %mul3A_2] : memref<26x16384xi32, #tpu.memory_space<hbm>> -> memref<1x512xi32, #tpu.memory_space<hbm>>
    %dma_start3A_181 = tpu.memref_squeeze %dma_start3A_180 : memref<1x512xi32, #tpu.memory_space<hbm>> -> memref<512xi32, #tpu.memory_space<hbm>>
    tpu.enqueue_dma source(%dma_start3A_181 : memref<512xi32, #tpu.memory_space<hbm>>) target(%dma_start3A_179 : memref<512xi32, #tpu.memory_space<vmem>>) target_semaphore(%arg10 : memref<!tpu.dma_semaphore, #tpu.memory_space<semaphore_mem>>)
    %dma_start3A_182 = arith.constant 20 : i32
    %dma_start3A_183 = arith.constant 10240 : i32
    %dma_start3A_184 = tpu.memref_slice %arg6[%dma_start3A_183] : memref<13312xi32, #tpu.memory_space<vmem>> -> memref<512xi32, #tpu.memory_space<vmem>>
    %dma_start3A_185 = tpu.memref_slice %arg2[%dma_start3A_182, %mul3A_2] : memref<26x16384xi32, #tpu.memory_space<hbm>> -> memref<1x512xi32, #tpu.memory_space<hbm>>
    %dma_start3A_186 = tpu.memref_squeeze %dma_start3A_185 : memref<1x512xi32, #tpu.memory_space<hbm>> -> memref<512xi32, #tpu.memory_space<hbm>>
    %dma_start3A_187 = arith.constant 10240 : i32
    %dma_start3A_188 = tpu.memref_slice %arg6[%dma_start3A_187] : memref<13312xi32, #tpu.memory_space<vmem>> -> memref<512xi32, #tpu.memory_space<vmem>>
    %dma_start3A_189 = tpu.memref_slice %arg2[%dma_start3A_182, %mul3A_2] : memref<26x16384xi32, #tpu.memory_space<hbm>> -> memref<1x512xi32, #tpu.memory_space<hbm>>
    %dma_start3A_190 = tpu.memref_squeeze %dma_start3A_189 : memref<1x512xi32, #tpu.memory_space<hbm>> -> memref<512xi32, #tpu.memory_space<hbm>>
    tpu.enqueue_dma source(%dma_start3A_190 : memref<512xi32, #tpu.memory_space<hbm>>) target(%dma_start3A_188 : memref<512xi32, #tpu.memory_space<vmem>>) target_semaphore(%arg10 : memref<!tpu.dma_semaphore, #tpu.memory_space<semaphore_mem>>)
    %dma_start3A_191 = arith.constant 21 : i32
    %dma_start3A_192 = arith.constant 10752 : i32
    %dma_start3A_193 = tpu.memref_slice %arg6[%dma_start3A_192] : memref<13312xi32, #tpu.memory_space<vmem>> -> memref<512xi32, #tpu.memory_space<vmem>>
    %dma_start3A_194 = tpu.memref_slice %arg2[%dma_start3A_191, %mul3A_2] : memref<26x16384xi32, #tpu.memory_space<hbm>> -> memref<1x512xi32, #tpu.memory_space<hbm>>
    %dma_start3A_195 = tpu.memref_squeeze %dma_start3A_194 : memref<1x512xi32, #tpu.memory_space<hbm>> -> memref<512xi32, #tpu.memory_space<hbm>>
    %dma_start3A_196 = arith.constant 10752 : i32
    %dma_start3A_197 = tpu.memref_slice %arg6[%dma_start3A_196] : memref<13312xi32, #tpu.memory_space<vmem>> -> memref<512xi32, #tpu.memory_space<vmem>>
    %dma_start3A_198 = tpu.memref_slice %arg2[%dma_start3A_191, %mul3A_2] : memref<26x16384xi32, #tpu.memory_space<hbm>> -> memref<1x512xi32, #tpu.memory_space<hbm>>
    %dma_start3A_199 = tpu.memref_squeeze %dma_start3A_198 : memref<1x512xi32, #tpu.memory_space<hbm>> -> memref<512xi32, #tpu.memory_space<hbm>>
    tpu.enqueue_dma source(%dma_start3A_199 : memref<512xi32, #tpu.memory_space<hbm>>) target(%dma_start3A_197 : memref<512xi32, #tpu.memory_space<vmem>>) target_semaphore(%arg10 : memref<!tpu.dma_semaphore, #tpu.memory_space<semaphore_mem>>)
    %dma_start3A_200 = arith.constant 22 : i32
    %dma_start3A_201 = arith.constant 11264 : i32
    %dma_start3A_202 = tpu.memref_slice %arg6[%dma_start3A_201] : memref<13312xi32, #tpu.memory_space<vmem>> -> memref<512xi32, #tpu.memory_space<vmem>>
    %dma_start3A_203 = tpu.memref_slice %arg2[%dma_start3A_200, %mul3A_2] : memref<26x16384xi32, #tpu.memory_space<hbm>> -> memref<1x512xi32, #tpu.memory_space<hbm>>
    %dma_start3A_204 = tpu.memref_squeeze %dma_start3A_203 : memref<1x512xi32, #tpu.memory_space<hbm>> -> memref<512xi32, #tpu.memory_space<hbm>>
    %dma_start3A_205 = arith.constant 11264 : i32
    %dma_start3A_206 = tpu.memref_slice %arg6[%dma_start3A_205] : memref<13312xi32, #tpu.memory_space<vmem>> -> memref<512xi32, #tpu.memory_space<vmem>>
    %dma_start3A_207 = tpu.memref_slice %arg2[%dma_start3A_200, %mul3A_2] : memref<26x16384xi32, #tpu.memory_space<hbm>> -> memref<1x512xi32, #tpu.memory_space<hbm>>
    %dma_start3A_208 = tpu.memref_squeeze %dma_start3A_207 : memref<1x512xi32, #tpu.memory_space<hbm>> -> memref<512xi32, #tpu.memory_space<hbm>>
    tpu.enqueue_dma source(%dma_start3A_208 : memref<512xi32, #tpu.memory_space<hbm>>) target(%dma_start3A_206 : memref<512xi32, #tpu.memory_space<vmem>>) target_semaphore(%arg10 : memref<!tpu.dma_semaphore, #tpu.memory_space<semaphore_mem>>)
    %dma_start3A_209 = arith.constant 23 : i32
    %dma_start3A_210 = arith.constant 11776 : i32
    %dma_start3A_211 = tpu.memref_slice %arg6[%dma_start3A_210] : memref<13312xi32, #tpu.memory_space<vmem>> -> memref<512xi32, #tpu.memory_space<vmem>>
    %dma_start3A_212 = tpu.memref_slice %arg2[%dma_start3A_209, %mul3A_2] : memref<26x16384xi32, #tpu.memory_space<hbm>> -> memref<1x512xi32, #tpu.memory_space<hbm>>
    %dma_start3A_213 = tpu.memref_squeeze %dma_start3A_212 : memref<1x512xi32, #tpu.memory_space<hbm>> -> memref<512xi32, #tpu.memory_space<hbm>>
    %dma_start3A_214 = arith.constant 11776 : i32
    %dma_start3A_215 = tpu.memref_slice %arg6[%dma_start3A_214] : memref<13312xi32, #tpu.memory_space<vmem>> -> memref<512xi32, #tpu.memory_space<vmem>>
    %dma_start3A_216 = tpu.memref_slice %arg2[%dma_start3A_209, %mul3A_2] : memref<26x16384xi32, #tpu.memory_space<hbm>> -> memref<1x512xi32, #tpu.memory_space<hbm>>
    %dma_start3A_217 = tpu.memref_squeeze %dma_start3A_216 : memref<1x512xi32, #tpu.memory_space<hbm>> -> memref<512xi32, #tpu.memory_space<hbm>>
    tpu.enqueue_dma source(%dma_start3A_217 : memref<512xi32, #tpu.memory_space<hbm>>) target(%dma_start3A_215 : memref<512xi32, #tpu.memory_space<vmem>>) target_semaphore(%arg10 : memref<!tpu.dma_semaphore, #tpu.memory_space<semaphore_mem>>)
    %dma_start3A_218 = arith.constant 24 : i32
    %dma_start3A_219 = arith.constant 12288 : i32
    %dma_start3A_220 = tpu.memref_slice %arg6[%dma_start3A_219] : memref<13312xi32, #tpu.memory_space<vmem>> -> memref<512xi32, #tpu.memory_space<vmem>>
    %dma_start3A_221 = tpu.memref_slice %arg2[%dma_start3A_218, %mul3A_2] : memref<26x16384xi32, #tpu.memory_space<hbm>> -> memref<1x512xi32, #tpu.memory_space<hbm>>
    %dma_start3A_222 = tpu.memref_squeeze %dma_start3A_221 : memref<1x512xi32, #tpu.memory_space<hbm>> -> memref<512xi32, #tpu.memory_space<hbm>>
    %dma_start3A_223 = arith.constant 12288 : i32
    %dma_start3A_224 = tpu.memref_slice %arg6[%dma_start3A_223] : memref<13312xi32, #tpu.memory_space<vmem>> -> memref<512xi32, #tpu.memory_space<vmem>>
    %dma_start3A_225 = tpu.memref_slice %arg2[%dma_start3A_218, %mul3A_2] : memref<26x16384xi32, #tpu.memory_space<hbm>> -> memref<1x512xi32, #tpu.memory_space<hbm>>
    %dma_start3A_226 = tpu.memref_squeeze %dma_start3A_225 : memref<1x512xi32, #tpu.memory_space<hbm>> -> memref<512xi32, #tpu.memory_space<hbm>>
    tpu.enqueue_dma source(%dma_start3A_226 : memref<512xi32, #tpu.memory_space<hbm>>) target(%dma_start3A_224 : memref<512xi32, #tpu.memory_space<vmem>>) target_semaphore(%arg10 : memref<!tpu.dma_semaphore, #tpu.memory_space<semaphore_mem>>)
    %dma_start3A_227 = arith.constant 25 : i32
    %dma_start3A_228 = arith.constant 12800 : i32
    %dma_start3A_229 = tpu.memref_slice %arg6[%dma_start3A_228] : memref<13312xi32, #tpu.memory_space<vmem>> -> memref<512xi32, #tpu.memory_space<vmem>>
    %dma_start3A_230 = tpu.memref_slice %arg2[%dma_start3A_227, %mul3A_2] : memref<26x16384xi32, #tpu.memory_space<hbm>> -> memref<1x512xi32, #tpu.memory_space<hbm>>
    %dma_start3A_231 = tpu.memref_squeeze %dma_start3A_230 : memref<1x512xi32, #tpu.memory_space<hbm>> -> memref<512xi32, #tpu.memory_space<hbm>>
    %dma_start3A_232 = arith.constant 12800 : i32
    %dma_start3A_233 = tpu.memref_slice %arg6[%dma_start3A_232] : memref<13312xi32, #tpu.memory_space<vmem>> -> memref<512xi32, #tpu.memory_space<vmem>>
    %dma_start3A_234 = tpu.memref_slice %arg2[%dma_start3A_227, %mul3A_2] : memref<26x16384xi32, #tpu.memory_space<hbm>> -> memref<1x512xi32, #tpu.memory_space<hbm>>
    %dma_start3A_235 = tpu.memref_squeeze %dma_start3A_234 : memref<1x512xi32, #tpu.memory_space<hbm>> -> memref<512xi32, #tpu.memory_space<hbm>>
    tpu.enqueue_dma source(%dma_start3A_235 : memref<512xi32, #tpu.memory_space<hbm>>) target(%dma_start3A_233 : memref<512xi32, #tpu.memory_space<vmem>>) target_semaphore(%arg10 : memref<!tpu.dma_semaphore, #tpu.memory_space<semaphore_mem>>)
    %dma_wait3A = arith.constant 0 : i32
    %dma_wait3A_236 = arith.constant 0 : i32
    %dma_wait3A_237 = tpu.memref_slice %arg6[%dma_wait3A_236] : memref<13312xi32, #tpu.memory_space<vmem>> -> memref<512xi32, #tpu.memory_space<vmem>>
    %dma_wait3A_238 = tpu.memref_slice %arg2[%dma_wait3A, %mul3A_2] : memref<26x16384xi32, #tpu.memory_space<hbm>> -> memref<1x512xi32, #tpu.memory_space<hbm>>
    %dma_wait3A_239 = tpu.memref_squeeze %dma_wait3A_238 : memref<1x512xi32, #tpu.memory_space<hbm>> -> memref<512xi32, #tpu.memory_space<hbm>>
    %dma_wait3A_240 = arith.constant 0 : i32
    %dma_wait3A_241 = tpu.memref_slice %arg6[%dma_wait3A_240] : memref<13312xi32, #tpu.memory_space<vmem>> -> memref<512xi32, #tpu.memory_space<vmem>>
    %dma_wait3A_242 = tpu.memref_slice %arg2[%dma_wait3A, %mul3A_2] : memref<26x16384xi32, #tpu.memory_space<hbm>> -> memref<1x512xi32, #tpu.memory_space<hbm>>
    %dma_wait3A_243 = tpu.memref_squeeze %dma_wait3A_242 : memref<1x512xi32, #tpu.memory_space<hbm>> -> memref<512xi32, #tpu.memory_space<hbm>>
    tpu.wait_dma2 semaphore(%arg10 : memref<!tpu.dma_semaphore, #tpu.memory_space<semaphore_mem>>) src(%dma_wait3A_243 : memref<512xi32, #tpu.memory_space<hbm>>) dst(%dma_wait3A_241 : memref<512xi32, #tpu.memory_space<vmem>>)
    %dma_wait3A_244 = arith.constant 1 : i32
    %dma_wait3A_245 = arith.constant 512 : i32
    %dma_wait3A_246 = tpu.memref_slice %arg6[%dma_wait3A_245] : memref<13312xi32, #tpu.memory_space<vmem>> -> memref<512xi32, #tpu.memory_space<vmem>>
    %dma_wait3A_247 = tpu.memref_slice %arg2[%dma_wait3A_244, %mul3A_2] : memref<26x16384xi32, #tpu.memory_space<hbm>> -> memref<1x512xi32, #tpu.memory_space<hbm>>
    %dma_wait3A_248 = tpu.memref_squeeze %dma_wait3A_247 : memref<1x512xi32, #tpu.memory_space<hbm>> -> memref<512xi32, #tpu.memory_space<hbm>>
    %dma_wait3A_249 = arith.constant 512 : i32
    %dma_wait3A_250 = tpu.memref_slice %arg6[%dma_wait3A_249] : memref<13312xi32, #tpu.memory_space<vmem>> -> memref<512xi32, #tpu.memory_space<vmem>>
    %dma_wait3A_251 = tpu.memref_slice %arg2[%dma_wait3A_244, %mul3A_2] : memref<26x16384xi32, #tpu.memory_space<hbm>> -> memref<1x512xi32, #tpu.memory_space<hbm>>
    %dma_wait3A_252 = tpu.memref_squeeze %dma_wait3A_251 : memref<1x512xi32, #tpu.memory_space<hbm>> -> memref<512xi32, #tpu.memory_space<hbm>>
    tpu.wait_dma2 semaphore(%arg10 : memref<!tpu.dma_semaphore, #tpu.memory_space<semaphore_mem>>) src(%dma_wait3A_252 : memref<512xi32, #tpu.memory_space<hbm>>) dst(%dma_wait3A_250 : memref<512xi32, #tpu.memory_space<vmem>>)
    %dma_wait3A_253 = arith.constant 2 : i32
    %dma_wait3A_254 = arith.constant 1024 : i32
    %dma_wait3A_255 = tpu.memref_slice %arg6[%dma_wait3A_254] : memref<13312xi32, #tpu.memory_space<vmem>> -> memref<512xi32, #tpu.memory_space<vmem>>
    %dma_wait3A_256 = tpu.memref_slice %arg2[%dma_wait3A_253, %mul3A_2] : memref<26x16384xi32, #tpu.memory_space<hbm>> -> memref<1x512xi32, #tpu.memory_space<hbm>>
    %dma_wait3A_257 = tpu.memref_squeeze %dma_wait3A_256 : memref<1x512xi32, #tpu.memory_space<hbm>> -> memref<512xi32, #tpu.memory_space<hbm>>
    %dma_wait3A_258 = arith.constant 1024 : i32
    %dma_wait3A_259 = tpu.memref_slice %arg6[%dma_wait3A_258] : memref<13312xi32, #tpu.memory_space<vmem>> -> memref<512xi32, #tpu.memory_space<vmem>>
    %dma_wait3A_260 = tpu.memref_slice %arg2[%dma_wait3A_253, %mul3A_2] : memref<26x16384xi32, #tpu.memory_space<hbm>> -> memref<1x512xi32, #tpu.memory_space<hbm>>
    %dma_wait3A_261 = tpu.memref_squeeze %dma_wait3A_260 : memref<1x512xi32, #tpu.memory_space<hbm>> -> memref<512xi32, #tpu.memory_space<hbm>>
    tpu.wait_dma2 semaphore(%arg10 : memref<!tpu.dma_semaphore, #tpu.memory_space<semaphore_mem>>) src(%dma_wait3A_261 : memref<512xi32, #tpu.memory_space<hbm>>) dst(%dma_wait3A_259 : memref<512xi32, #tpu.memory_space<vmem>>)
    %dma_wait3A_262 = arith.constant 3 : i32
    %dma_wait3A_263 = arith.constant 1536 : i32
    %dma_wait3A_264 = tpu.memref_slice %arg6[%dma_wait3A_263] : memref<13312xi32, #tpu.memory_space<vmem>> -> memref<512xi32, #tpu.memory_space<vmem>>
    %dma_wait3A_265 = tpu.memref_slice %arg2[%dma_wait3A_262, %mul3A_2] : memref<26x16384xi32, #tpu.memory_space<hbm>> -> memref<1x512xi32, #tpu.memory_space<hbm>>
    %dma_wait3A_266 = tpu.memref_squeeze %dma_wait3A_265 : memref<1x512xi32, #tpu.memory_space<hbm>> -> memref<512xi32, #tpu.memory_space<hbm>>
    %dma_wait3A_267 = arith.constant 1536 : i32
    %dma_wait3A_268 = tpu.memref_slice %arg6[%dma_wait3A_267] : memref<13312xi32, #tpu.memory_space<vmem>> -> memref<512xi32, #tpu.memory_space<vmem>>
    %dma_wait3A_269 = tpu.memref_slice %arg2[%dma_wait3A_262, %mul3A_2] : memref<26x16384xi32, #tpu.memory_space<hbm>> -> memref<1x512xi32, #tpu.memory_space<hbm>>
    %dma_wait3A_270 = tpu.memref_squeeze %dma_wait3A_269 : memref<1x512xi32, #tpu.memory_space<hbm>> -> memref<512xi32, #tpu.memory_space<hbm>>
    tpu.wait_dma2 semaphore(%arg10 : memref<!tpu.dma_semaphore, #tpu.memory_space<semaphore_mem>>) src(%dma_wait3A_270 : memref<512xi32, #tpu.memory_space<hbm>>) dst(%dma_wait3A_268 : memref<512xi32, #tpu.memory_space<vmem>>)
    %dma_wait3A_271 = arith.constant 4 : i32
    %dma_wait3A_272 = arith.constant 2048 : i32
    %dma_wait3A_273 = tpu.memref_slice %arg6[%dma_wait3A_272] : memref<13312xi32, #tpu.memory_space<vmem>> -> memref<512xi32, #tpu.memory_space<vmem>>
    %dma_wait3A_274 = tpu.memref_slice %arg2[%dma_wait3A_271, %mul3A_2] : memref<26x16384xi32, #tpu.memory_space<hbm>> -> memref<1x512xi32, #tpu.memory_space<hbm>>
    %dma_wait3A_275 = tpu.memref_squeeze %dma_wait3A_274 : memref<1x512xi32, #tpu.memory_space<hbm>> -> memref<512xi32, #tpu.memory_space<hbm>>
    %dma_wait3A_276 = arith.constant 2048 : i32
    %dma_wait3A_277 = tpu.memref_slice %arg6[%dma_wait3A_276] : memref<13312xi32, #tpu.memory_space<vmem>> -> memref<512xi32, #tpu.memory_space<vmem>>
    %dma_wait3A_278 = tpu.memref_slice %arg2[%dma_wait3A_271, %mul3A_2] : memref<26x16384xi32, #tpu.memory_space<hbm>> -> memref<1x512xi32, #tpu.memory_space<hbm>>
    %dma_wait3A_279 = tpu.memref_squeeze %dma_wait3A_278 : memref<1x512xi32, #tpu.memory_space<hbm>> -> memref<512xi32, #tpu.memory_space<hbm>>
    tpu.wait_dma2 semaphore(%arg10 : memref<!tpu.dma_semaphore, #tpu.memory_space<semaphore_mem>>) src(%dma_wait3A_279 : memref<512xi32, #tpu.memory_space<hbm>>) dst(%dma_wait3A_277 : memref<512xi32, #tpu.memory_space<vmem>>)
    %dma_wait3A_280 = arith.constant 5 : i32
    %dma_wait3A_281 = arith.constant 2560 : i32
    %dma_wait3A_282 = tpu.memref_slice %arg6[%dma_wait3A_281] : memref<13312xi32, #tpu.memory_space<vmem>> -> memref<512xi32, #tpu.memory_space<vmem>>
    %dma_wait3A_283 = tpu.memref_slice %arg2[%dma_wait3A_280, %mul3A_2] : memref<26x16384xi32, #tpu.memory_space<hbm>> -> memref<1x512xi32, #tpu.memory_space<hbm>>
    %dma_wait3A_284 = tpu.memref_squeeze %dma_wait3A_283 : memref<1x512xi32, #tpu.memory_space<hbm>> -> memref<512xi32, #tpu.memory_space<hbm>>
    %dma_wait3A_285 = arith.constant 2560 : i32
    %dma_wait3A_286 = tpu.memref_slice %arg6[%dma_wait3A_285] : memref<13312xi32, #tpu.memory_space<vmem>> -> memref<512xi32, #tpu.memory_space<vmem>>
    %dma_wait3A_287 = tpu.memref_slice %arg2[%dma_wait3A_280, %mul3A_2] : memref<26x16384xi32, #tpu.memory_space<hbm>> -> memref<1x512xi32, #tpu.memory_space<hbm>>
    %dma_wait3A_288 = tpu.memref_squeeze %dma_wait3A_287 : memref<1x512xi32, #tpu.memory_space<hbm>> -> memref<512xi32, #tpu.memory_space<hbm>>
    tpu.wait_dma2 semaphore(%arg10 : memref<!tpu.dma_semaphore, #tpu.memory_space<semaphore_mem>>) src(%dma_wait3A_288 : memref<512xi32, #tpu.memory_space<hbm>>) dst(%dma_wait3A_286 : memref<512xi32, #tpu.memory_space<vmem>>)
    %dma_wait3A_289 = arith.constant 6 : i32
    %dma_wait3A_290 = arith.constant 3072 : i32
    %dma_wait3A_291 = tpu.memref_slice %arg6[%dma_wait3A_290] : memref<13312xi32, #tpu.memory_space<vmem>> -> memref<512xi32, #tpu.memory_space<vmem>>
    %dma_wait3A_292 = tpu.memref_slice %arg2[%dma_wait3A_289, %mul3A_2] : memref<26x16384xi32, #tpu.memory_space<hbm>> -> memref<1x512xi32, #tpu.memory_space<hbm>>
    %dma_wait3A_293 = tpu.memref_squeeze %dma_wait3A_292 : memref<1x512xi32, #tpu.memory_space<hbm>> -> memref<512xi32, #tpu.memory_space<hbm>>
    %dma_wait3A_294 = arith.constant 3072 : i32
    %dma_wait3A_295 = tpu.memref_slice %arg6[%dma_wait3A_294] : memref<13312xi32, #tpu.memory_space<vmem>> -> memref<512xi32, #tpu.memory_space<vmem>>
    %dma_wait3A_296 = tpu.memref_slice %arg2[%dma_wait3A_289, %mul3A_2] : memref<26x16384xi32, #tpu.memory_space<hbm>> -> memref<1x512xi32, #tpu.memory_space<hbm>>
    %dma_wait3A_297 = tpu.memref_squeeze %dma_wait3A_296 : memref<1x512xi32, #tpu.memory_space<hbm>> -> memref<512xi32, #tpu.memory_space<hbm>>
    tpu.wait_dma2 semaphore(%arg10 : memref<!tpu.dma_semaphore, #tpu.memory_space<semaphore_mem>>) src(%dma_wait3A_297 : memref<512xi32, #tpu.memory_space<hbm>>) dst(%dma_wait3A_295 : memref<512xi32, #tpu.memory_space<vmem>>)
    %dma_wait3A_298 = arith.constant 7 : i32
    %dma_wait3A_299 = arith.constant 3584 : i32
    %dma_wait3A_300 = tpu.memref_slice %arg6[%dma_wait3A_299] : memref<13312xi32, #tpu.memory_space<vmem>> -> memref<512xi32, #tpu.memory_space<vmem>>
    %dma_wait3A_301 = tpu.memref_slice %arg2[%dma_wait3A_298, %mul3A_2] : memref<26x16384xi32, #tpu.memory_space<hbm>> -> memref<1x512xi32, #tpu.memory_space<hbm>>
    %dma_wait3A_302 = tpu.memref_squeeze %dma_wait3A_301 : memref<1x512xi32, #tpu.memory_space<hbm>> -> memref<512xi32, #tpu.memory_space<hbm>>
    %dma_wait3A_303 = arith.constant 3584 : i32
    %dma_wait3A_304 = tpu.memref_slice %arg6[%dma_wait3A_303] : memref<13312xi32, #tpu.memory_space<vmem>> -> memref<512xi32, #tpu.memory_space<vmem>>
    %dma_wait3A_305 = tpu.memref_slice %arg2[%dma_wait3A_298, %mul3A_2] : memref<26x16384xi32, #tpu.memory_space<hbm>> -> memref<1x512xi32, #tpu.memory_space<hbm>>
    %dma_wait3A_306 = tpu.memref_squeeze %dma_wait3A_305 : memref<1x512xi32, #tpu.memory_space<hbm>> -> memref<512xi32, #tpu.memory_space<hbm>>
    tpu.wait_dma2 semaphore(%arg10 : memref<!tpu.dma_semaphore, #tpu.memory_space<semaphore_mem>>) src(%dma_wait3A_306 : memref<512xi32, #tpu.memory_space<hbm>>) dst(%dma_wait3A_304 : memref<512xi32, #tpu.memory_space<vmem>>)
    %dma_wait3A_307 = arith.constant 8 : i32
    %dma_wait3A_308 = arith.constant 4096 : i32
    %dma_wait3A_309 = tpu.memref_slice %arg6[%dma_wait3A_308] : memref<13312xi32, #tpu.memory_space<vmem>> -> memref<512xi32, #tpu.memory_space<vmem>>
    %dma_wait3A_310 = tpu.memref_slice %arg2[%dma_wait3A_307, %mul3A_2] : memref<26x16384xi32, #tpu.memory_space<hbm>> -> memref<1x512xi32, #tpu.memory_space<hbm>>
    %dma_wait3A_311 = tpu.memref_squeeze %dma_wait3A_310 : memref<1x512xi32, #tpu.memory_space<hbm>> -> memref<512xi32, #tpu.memory_space<hbm>>
    %dma_wait3A_312 = arith.constant 4096 : i32
    %dma_wait3A_313 = tpu.memref_slice %arg6[%dma_wait3A_312] : memref<13312xi32, #tpu.memory_space<vmem>> -> memref<512xi32, #tpu.memory_space<vmem>>
    %dma_wait3A_314 = tpu.memref_slice %arg2[%dma_wait3A_307, %mul3A_2] : memref<26x16384xi32, #tpu.memory_space<hbm>> -> memref<1x512xi32, #tpu.memory_space<hbm>>
    %dma_wait3A_315 = tpu.memref_squeeze %dma_wait3A_314 : memref<1x512xi32, #tpu.memory_space<hbm>> -> memref<512xi32, #tpu.memory_space<hbm>>
    tpu.wait_dma2 semaphore(%arg10 : memref<!tpu.dma_semaphore, #tpu.memory_space<semaphore_mem>>) src(%dma_wait3A_315 : memref<512xi32, #tpu.memory_space<hbm>>) dst(%dma_wait3A_313 : memref<512xi32, #tpu.memory_space<vmem>>)
    %dma_wait3A_316 = arith.constant 9 : i32
    %dma_wait3A_317 = arith.constant 4608 : i32
    %dma_wait3A_318 = tpu.memref_slice %arg6[%dma_wait3A_317] : memref<13312xi32, #tpu.memory_space<vmem>> -> memref<512xi32, #tpu.memory_space<vmem>>
    %dma_wait3A_319 = tpu.memref_slice %arg2[%dma_wait3A_316, %mul3A_2] : memref<26x16384xi32, #tpu.memory_space<hbm>> -> memref<1x512xi32, #tpu.memory_space<hbm>>
    %dma_wait3A_320 = tpu.memref_squeeze %dma_wait3A_319 : memref<1x512xi32, #tpu.memory_space<hbm>> -> memref<512xi32, #tpu.memory_space<hbm>>
    %dma_wait3A_321 = arith.constant 4608 : i32
    %dma_wait3A_322 = tpu.memref_slice %arg6[%dma_wait3A_321] : memref<13312xi32, #tpu.memory_space<vmem>> -> memref<512xi32, #tpu.memory_space<vmem>>
    %dma_wait3A_323 = tpu.memref_slice %arg2[%dma_wait3A_316, %mul3A_2] : memref<26x16384xi32, #tpu.memory_space<hbm>> -> memref<1x512xi32, #tpu.memory_space<hbm>>
    %dma_wait3A_324 = tpu.memref_squeeze %dma_wait3A_323 : memref<1x512xi32, #tpu.memory_space<hbm>> -> memref<512xi32, #tpu.memory_space<hbm>>
    tpu.wait_dma2 semaphore(%arg10 : memref<!tpu.dma_semaphore, #tpu.memory_space<semaphore_mem>>) src(%dma_wait3A_324 : memref<512xi32, #tpu.memory_space<hbm>>) dst(%dma_wait3A_322 : memref<512xi32, #tpu.memory_space<vmem>>)
    %dma_wait3A_325 = arith.constant 10 : i32
    %dma_wait3A_326 = arith.constant 5120 : i32
    %dma_wait3A_327 = tpu.memref_slice %arg6[%dma_wait3A_326] : memref<13312xi32, #tpu.memory_space<vmem>> -> memref<512xi32, #tpu.memory_space<vmem>>
    %dma_wait3A_328 = tpu.memref_slice %arg2[%dma_wait3A_325, %mul3A_2] : memref<26x16384xi32, #tpu.memory_space<hbm>> -> memref<1x512xi32, #tpu.memory_space<hbm>>
    %dma_wait3A_329 = tpu.memref_squeeze %dma_wait3A_328 : memref<1x512xi32, #tpu.memory_space<hbm>> -> memref<512xi32, #tpu.memory_space<hbm>>
    %dma_wait3A_330 = arith.constant 5120 : i32
    %dma_wait3A_331 = tpu.memref_slice %arg6[%dma_wait3A_330] : memref<13312xi32, #tpu.memory_space<vmem>> -> memref<512xi32, #tpu.memory_space<vmem>>
    %dma_wait3A_332 = tpu.memref_slice %arg2[%dma_wait3A_325, %mul3A_2] : memref<26x16384xi32, #tpu.memory_space<hbm>> -> memref<1x512xi32, #tpu.memory_space<hbm>>
    %dma_wait3A_333 = tpu.memref_squeeze %dma_wait3A_332 : memref<1x512xi32, #tpu.memory_space<hbm>> -> memref<512xi32, #tpu.memory_space<hbm>>
    tpu.wait_dma2 semaphore(%arg10 : memref<!tpu.dma_semaphore, #tpu.memory_space<semaphore_mem>>) src(%dma_wait3A_333 : memref<512xi32, #tpu.memory_space<hbm>>) dst(%dma_wait3A_331 : memref<512xi32, #tpu.memory_space<vmem>>)
    %dma_wait3A_334 = arith.constant 11 : i32
    %dma_wait3A_335 = arith.constant 5632 : i32
    %dma_wait3A_336 = tpu.memref_slice %arg6[%dma_wait3A_335] : memref<13312xi32, #tpu.memory_space<vmem>> -> memref<512xi32, #tpu.memory_space<vmem>>
    %dma_wait3A_337 = tpu.memref_slice %arg2[%dma_wait3A_334, %mul3A_2] : memref<26x16384xi32, #tpu.memory_space<hbm>> -> memref<1x512xi32, #tpu.memory_space<hbm>>
    %dma_wait3A_338 = tpu.memref_squeeze %dma_wait3A_337 : memref<1x512xi32, #tpu.memory_space<hbm>> -> memref<512xi32, #tpu.memory_space<hbm>>
    %dma_wait3A_339 = arith.constant 5632 : i32
    %dma_wait3A_340 = tpu.memref_slice %arg6[%dma_wait3A_339] : memref<13312xi32, #tpu.memory_space<vmem>> -> memref<512xi32, #tpu.memory_space<vmem>>
    %dma_wait3A_341 = tpu.memref_slice %arg2[%dma_wait3A_334, %mul3A_2] : memref<26x16384xi32, #tpu.memory_space<hbm>> -> memref<1x512xi32, #tpu.memory_space<hbm>>
    %dma_wait3A_342 = tpu.memref_squeeze %dma_wait3A_341 : memref<1x512xi32, #tpu.memory_space<hbm>> -> memref<512xi32, #tpu.memory_space<hbm>>
    tpu.wait_dma2 semaphore(%arg10 : memref<!tpu.dma_semaphore, #tpu.memory_space<semaphore_mem>>) src(%dma_wait3A_342 : memref<512xi32, #tpu.memory_space<hbm>>) dst(%dma_wait3A_340 : memref<512xi32, #tpu.memory_space<vmem>>)
    %dma_wait3A_343 = arith.constant 12 : i32
    %dma_wait3A_344 = arith.constant 6144 : i32
    %dma_wait3A_345 = tpu.memref_slice %arg6[%dma_wait3A_344] : memref<13312xi32, #tpu.memory_space<vmem>> -> memref<512xi32, #tpu.memory_space<vmem>>
    %dma_wait3A_346 = tpu.memref_slice %arg2[%dma_wait3A_343, %mul3A_2] : memref<26x16384xi32, #tpu.memory_space<hbm>> -> memref<1x512xi32, #tpu.memory_space<hbm>>
    %dma_wait3A_347 = tpu.memref_squeeze %dma_wait3A_346 : memref<1x512xi32, #tpu.memory_space<hbm>> -> memref<512xi32, #tpu.memory_space<hbm>>
    %dma_wait3A_348 = arith.constant 6144 : i32
    %dma_wait3A_349 = tpu.memref_slice %arg6[%dma_wait3A_348] : memref<13312xi32, #tpu.memory_space<vmem>> -> memref<512xi32, #tpu.memory_space<vmem>>
    %dma_wait3A_350 = tpu.memref_slice %arg2[%dma_wait3A_343, %mul3A_2] : memref<26x16384xi32, #tpu.memory_space<hbm>> -> memref<1x512xi32, #tpu.memory_space<hbm>>
    %dma_wait3A_351 = tpu.memref_squeeze %dma_wait3A_350 : memref<1x512xi32, #tpu.memory_space<hbm>> -> memref<512xi32, #tpu.memory_space<hbm>>
    tpu.wait_dma2 semaphore(%arg10 : memref<!tpu.dma_semaphore, #tpu.memory_space<semaphore_mem>>) src(%dma_wait3A_351 : memref<512xi32, #tpu.memory_space<hbm>>) dst(%dma_wait3A_349 : memref<512xi32, #tpu.memory_space<vmem>>)
    %dma_wait3A_352 = arith.constant 13 : i32
    %dma_wait3A_353 = arith.constant 6656 : i32
    %dma_wait3A_354 = tpu.memref_slice %arg6[%dma_wait3A_353] : memref<13312xi32, #tpu.memory_space<vmem>> -> memref<512xi32, #tpu.memory_space<vmem>>
    %dma_wait3A_355 = tpu.memref_slice %arg2[%dma_wait3A_352, %mul3A_2] : memref<26x16384xi32, #tpu.memory_space<hbm>> -> memref<1x512xi32, #tpu.memory_space<hbm>>
    %dma_wait3A_356 = tpu.memref_squeeze %dma_wait3A_355 : memref<1x512xi32, #tpu.memory_space<hbm>> -> memref<512xi32, #tpu.memory_space<hbm>>
    %dma_wait3A_357 = arith.constant 6656 : i32
    %dma_wait3A_358 = tpu.memref_slice %arg6[%dma_wait3A_357] : memref<13312xi32, #tpu.memory_space<vmem>> -> memref<512xi32, #tpu.memory_space<vmem>>
    %dma_wait3A_359 = tpu.memref_slice %arg2[%dma_wait3A_352, %mul3A_2] : memref<26x16384xi32, #tpu.memory_space<hbm>> -> memref<1x512xi32, #tpu.memory_space<hbm>>
    %dma_wait3A_360 = tpu.memref_squeeze %dma_wait3A_359 : memref<1x512xi32, #tpu.memory_space<hbm>> -> memref<512xi32, #tpu.memory_space<hbm>>
    tpu.wait_dma2 semaphore(%arg10 : memref<!tpu.dma_semaphore, #tpu.memory_space<semaphore_mem>>) src(%dma_wait3A_360 : memref<512xi32, #tpu.memory_space<hbm>>) dst(%dma_wait3A_358 : memref<512xi32, #tpu.memory_space<vmem>>)
    %dma_wait3A_361 = arith.constant 14 : i32
    %dma_wait3A_362 = arith.constant 7168 : i32
    %dma_wait3A_363 = tpu.memref_slice %arg6[%dma_wait3A_362] : memref<13312xi32, #tpu.memory_space<vmem>> -> memref<512xi32, #tpu.memory_space<vmem>>
    %dma_wait3A_364 = tpu.memref_slice %arg2[%dma_wait3A_361, %mul3A_2] : memref<26x16384xi32, #tpu.memory_space<hbm>> -> memref<1x512xi32, #tpu.memory_space<hbm>>
    %dma_wait3A_365 = tpu.memref_squeeze %dma_wait3A_364 : memref<1x512xi32, #tpu.memory_space<hbm>> -> memref<512xi32, #tpu.memory_space<hbm>>
    %dma_wait3A_366 = arith.constant 7168 : i32
    %dma_wait3A_367 = tpu.memref_slice %arg6[%dma_wait3A_366] : memref<13312xi32, #tpu.memory_space<vmem>> -> memref<512xi32, #tpu.memory_space<vmem>>
    %dma_wait3A_368 = tpu.memref_slice %arg2[%dma_wait3A_361, %mul3A_2] : memref<26x16384xi32, #tpu.memory_space<hbm>> -> memref<1x512xi32, #tpu.memory_space<hbm>>
    %dma_wait3A_369 = tpu.memref_squeeze %dma_wait3A_368 : memref<1x512xi32, #tpu.memory_space<hbm>> -> memref<512xi32, #tpu.memory_space<hbm>>
    tpu.wait_dma2 semaphore(%arg10 : memref<!tpu.dma_semaphore, #tpu.memory_space<semaphore_mem>>) src(%dma_wait3A_369 : memref<512xi32, #tpu.memory_space<hbm>>) dst(%dma_wait3A_367 : memref<512xi32, #tpu.memory_space<vmem>>)
    %dma_wait3A_370 = arith.constant 15 : i32
    %dma_wait3A_371 = arith.constant 7680 : i32
    %dma_wait3A_372 = tpu.memref_slice %arg6[%dma_wait3A_371] : memref<13312xi32, #tpu.memory_space<vmem>> -> memref<512xi32, #tpu.memory_space<vmem>>
    %dma_wait3A_373 = tpu.memref_slice %arg2[%dma_wait3A_370, %mul3A_2] : memref<26x16384xi32, #tpu.memory_space<hbm>> -> memref<1x512xi32, #tpu.memory_space<hbm>>
    %dma_wait3A_374 = tpu.memref_squeeze %dma_wait3A_373 : memref<1x512xi32, #tpu.memory_space<hbm>> -> memref<512xi32, #tpu.memory_space<hbm>>
    %dma_wait3A_375 = arith.constant 7680 : i32
    %dma_wait3A_376 = tpu.memref_slice %arg6[%dma_wait3A_375] : memref<13312xi32, #tpu.memory_space<vmem>> -> memref<512xi32, #tpu.memory_space<vmem>>
    %dma_wait3A_377 = tpu.memref_slice %arg2[%dma_wait3A_370, %mul3A_2] : memref<26x16384xi32, #tpu.memory_space<hbm>> -> memref<1x512xi32, #tpu.memory_space<hbm>>
    %dma_wait3A_378 = tpu.memref_squeeze %dma_wait3A_377 : memref<1x512xi32, #tpu.memory_space<hbm>> -> memref<512xi32, #tpu.memory_space<hbm>>
    tpu.wait_dma2 semaphore(%arg10 : memref<!tpu.dma_semaphore, #tpu.memory_space<semaphore_mem>>) src(%dma_wait3A_378 : memref<512xi32, #tpu.memory_space<hbm>>) dst(%dma_wait3A_376 : memref<512xi32, #tpu.memory_space<vmem>>)
    %dma_wait3A_379 = arith.constant 16 : i32
    %dma_wait3A_380 = arith.constant 8192 : i32
    %dma_wait3A_381 = tpu.memref_slice %arg6[%dma_wait3A_380] : memref<13312xi32, #tpu.memory_space<vmem>> -> memref<512xi32, #tpu.memory_space<vmem>>
    %dma_wait3A_382 = tpu.memref_slice %arg2[%dma_wait3A_379, %mul3A_2] : memref<26x16384xi32, #tpu.memory_space<hbm>> -> memref<1x512xi32, #tpu.memory_space<hbm>>
    %dma_wait3A_383 = tpu.memref_squeeze %dma_wait3A_382 : memref<1x512xi32, #tpu.memory_space<hbm>> -> memref<512xi32, #tpu.memory_space<hbm>>
    %dma_wait3A_384 = arith.constant 8192 : i32
    %dma_wait3A_385 = tpu.memref_slice %arg6[%dma_wait3A_384] : memref<13312xi32, #tpu.memory_space<vmem>> -> memref<512xi32, #tpu.memory_space<vmem>>
    %dma_wait3A_386 = tpu.memref_slice %arg2[%dma_wait3A_379, %mul3A_2] : memref<26x16384xi32, #tpu.memory_space<hbm>> -> memref<1x512xi32, #tpu.memory_space<hbm>>
    %dma_wait3A_387 = tpu.memref_squeeze %dma_wait3A_386 : memref<1x512xi32, #tpu.memory_space<hbm>> -> memref<512xi32, #tpu.memory_space<hbm>>
    tpu.wait_dma2 semaphore(%arg10 : memref<!tpu.dma_semaphore, #tpu.memory_space<semaphore_mem>>) src(%dma_wait3A_387 : memref<512xi32, #tpu.memory_space<hbm>>) dst(%dma_wait3A_385 : memref<512xi32, #tpu.memory_space<vmem>>)
    %dma_wait3A_388 = arith.constant 17 : i32
    %dma_wait3A_389 = arith.constant 8704 : i32
    %dma_wait3A_390 = tpu.memref_slice %arg6[%dma_wait3A_389] : memref<13312xi32, #tpu.memory_space<vmem>> -> memref<512xi32, #tpu.memory_space<vmem>>
    %dma_wait3A_391 = tpu.memref_slice %arg2[%dma_wait3A_388, %mul3A_2] : memref<26x16384xi32, #tpu.memory_space<hbm>> -> memref<1x512xi32, #tpu.memory_space<hbm>>
    %dma_wait3A_392 = tpu.memref_squeeze %dma_wait3A_391 : memref<1x512xi32, #tpu.memory_space<hbm>> -> memref<512xi32, #tpu.memory_space<hbm>>
    %dma_wait3A_393 = arith.constant 8704 : i32
    %dma_wait3A_394 = tpu.memref_slice %arg6[%dma_wait3A_393] : memref<13312xi32, #tpu.memory_space<vmem>> -> memref<512xi32, #tpu.memory_space<vmem>>
    %dma_wait3A_395 = tpu.memref_slice %arg2[%dma_wait3A_388, %mul3A_2] : memref<26x16384xi32, #tpu.memory_space<hbm>> -> memref<1x512xi32, #tpu.memory_space<hbm>>
    %dma_wait3A_396 = tpu.memref_squeeze %dma_wait3A_395 : memref<1x512xi32, #tpu.memory_space<hbm>> -> memref<512xi32, #tpu.memory_space<hbm>>
    tpu.wait_dma2 semaphore(%arg10 : memref<!tpu.dma_semaphore, #tpu.memory_space<semaphore_mem>>) src(%dma_wait3A_396 : memref<512xi32, #tpu.memory_space<hbm>>) dst(%dma_wait3A_394 : memref<512xi32, #tpu.memory_space<vmem>>)
    %dma_wait3A_397 = arith.constant 18 : i32
    %dma_wait3A_398 = arith.constant 9216 : i32
    %dma_wait3A_399 = tpu.memref_slice %arg6[%dma_wait3A_398] : memref<13312xi32, #tpu.memory_space<vmem>> -> memref<512xi32, #tpu.memory_space<vmem>>
    %dma_wait3A_400 = tpu.memref_slice %arg2[%dma_wait3A_397, %mul3A_2] : memref<26x16384xi32, #tpu.memory_space<hbm>> -> memref<1x512xi32, #tpu.memory_space<hbm>>
    %dma_wait3A_401 = tpu.memref_squeeze %dma_wait3A_400 : memref<1x512xi32, #tpu.memory_space<hbm>> -> memref<512xi32, #tpu.memory_space<hbm>>
    %dma_wait3A_402 = arith.constant 9216 : i32
    %dma_wait3A_403 = tpu.memref_slice %arg6[%dma_wait3A_402] : memref<13312xi32, #tpu.memory_space<vmem>> -> memref<512xi32, #tpu.memory_space<vmem>>
    %dma_wait3A_404 = tpu.memref_slice %arg2[%dma_wait3A_397, %mul3A_2] : memref<26x16384xi32, #tpu.memory_space<hbm>> -> memref<1x512xi32, #tpu.memory_space<hbm>>
    %dma_wait3A_405 = tpu.memref_squeeze %dma_wait3A_404 : memref<1x512xi32, #tpu.memory_space<hbm>> -> memref<512xi32, #tpu.memory_space<hbm>>
    tpu.wait_dma2 semaphore(%arg10 : memref<!tpu.dma_semaphore, #tpu.memory_space<semaphore_mem>>) src(%dma_wait3A_405 : memref<512xi32, #tpu.memory_space<hbm>>) dst(%dma_wait3A_403 : memref<512xi32, #tpu.memory_space<vmem>>)
    %dma_wait3A_406 = arith.constant 19 : i32
    %dma_wait3A_407 = arith.constant 9728 : i32
    %dma_wait3A_408 = tpu.memref_slice %arg6[%dma_wait3A_407] : memref<13312xi32, #tpu.memory_space<vmem>> -> memref<512xi32, #tpu.memory_space<vmem>>
    %dma_wait3A_409 = tpu.memref_slice %arg2[%dma_wait3A_406, %mul3A_2] : memref<26x16384xi32, #tpu.memory_space<hbm>> -> memref<1x512xi32, #tpu.memory_space<hbm>>
    %dma_wait3A_410 = tpu.memref_squeeze %dma_wait3A_409 : memref<1x512xi32, #tpu.memory_space<hbm>> -> memref<512xi32, #tpu.memory_space<hbm>>
    %dma_wait3A_411 = arith.constant 9728 : i32
    %dma_wait3A_412 = tpu.memref_slice %arg6[%dma_wait3A_411] : memref<13312xi32, #tpu.memory_space<vmem>> -> memref<512xi32, #tpu.memory_space<vmem>>
    %dma_wait3A_413 = tpu.memref_slice %arg2[%dma_wait3A_406, %mul3A_2] : memref<26x16384xi32, #tpu.memory_space<hbm>> -> memref<1x512xi32, #tpu.memory_space<hbm>>
    %dma_wait3A_414 = tpu.memref_squeeze %dma_wait3A_413 : memref<1x512xi32, #tpu.memory_space<hbm>> -> memref<512xi32, #tpu.memory_space<hbm>>
    tpu.wait_dma2 semaphore(%arg10 : memref<!tpu.dma_semaphore, #tpu.memory_space<semaphore_mem>>) src(%dma_wait3A_414 : memref<512xi32, #tpu.memory_space<hbm>>) dst(%dma_wait3A_412 : memref<512xi32, #tpu.memory_space<vmem>>)
    %dma_wait3A_415 = arith.constant 20 : i32
    %dma_wait3A_416 = arith.constant 10240 : i32
    %dma_wait3A_417 = tpu.memref_slice %arg6[%dma_wait3A_416] : memref<13312xi32, #tpu.memory_space<vmem>> -> memref<512xi32, #tpu.memory_space<vmem>>
    %dma_wait3A_418 = tpu.memref_slice %arg2[%dma_wait3A_415, %mul3A_2] : memref<26x16384xi32, #tpu.memory_space<hbm>> -> memref<1x512xi32, #tpu.memory_space<hbm>>
    %dma_wait3A_419 = tpu.memref_squeeze %dma_wait3A_418 : memref<1x512xi32, #tpu.memory_space<hbm>> -> memref<512xi32, #tpu.memory_space<hbm>>
    %dma_wait3A_420 = arith.constant 10240 : i32
    %dma_wait3A_421 = tpu.memref_slice %arg6[%dma_wait3A_420] : memref<13312xi32, #tpu.memory_space<vmem>> -> memref<512xi32, #tpu.memory_space<vmem>>
    %dma_wait3A_422 = tpu.memref_slice %arg2[%dma_wait3A_415, %mul3A_2] : memref<26x16384xi32, #tpu.memory_space<hbm>> -> memref<1x512xi32, #tpu.memory_space<hbm>>
    %dma_wait3A_423 = tpu.memref_squeeze %dma_wait3A_422 : memref<1x512xi32, #tpu.memory_space<hbm>> -> memref<512xi32, #tpu.memory_space<hbm>>
    tpu.wait_dma2 semaphore(%arg10 : memref<!tpu.dma_semaphore, #tpu.memory_space<semaphore_mem>>) src(%dma_wait3A_423 : memref<512xi32, #tpu.memory_space<hbm>>) dst(%dma_wait3A_421 : memref<512xi32, #tpu.memory_space<vmem>>)
    %dma_wait3A_424 = arith.constant 21 : i32
    %dma_wait3A_425 = arith.constant 10752 : i32
    %dma_wait3A_426 = tpu.memref_slice %arg6[%dma_wait3A_425] : memref<13312xi32, #tpu.memory_space<vmem>> -> memref<512xi32, #tpu.memory_space<vmem>>
    %dma_wait3A_427 = tpu.memref_slice %arg2[%dma_wait3A_424, %mul3A_2] : memref<26x16384xi32, #tpu.memory_space<hbm>> -> memref<1x512xi32, #tpu.memory_space<hbm>>
    %dma_wait3A_428 = tpu.memref_squeeze %dma_wait3A_427 : memref<1x512xi32, #tpu.memory_space<hbm>> -> memref<512xi32, #tpu.memory_space<hbm>>
    %dma_wait3A_429 = arith.constant 10752 : i32
    %dma_wait3A_430 = tpu.memref_slice %arg6[%dma_wait3A_429] : memref<13312xi32, #tpu.memory_space<vmem>> -> memref<512xi32, #tpu.memory_space<vmem>>
    %dma_wait3A_431 = tpu.memref_slice %arg2[%dma_wait3A_424, %mul3A_2] : memref<26x16384xi32, #tpu.memory_space<hbm>> -> memref<1x512xi32, #tpu.memory_space<hbm>>
    %dma_wait3A_432 = tpu.memref_squeeze %dma_wait3A_431 : memref<1x512xi32, #tpu.memory_space<hbm>> -> memref<512xi32, #tpu.memory_space<hbm>>
    tpu.wait_dma2 semaphore(%arg10 : memref<!tpu.dma_semaphore, #tpu.memory_space<semaphore_mem>>) src(%dma_wait3A_432 : memref<512xi32, #tpu.memory_space<hbm>>) dst(%dma_wait3A_430 : memref<512xi32, #tpu.memory_space<vmem>>)
    %dma_wait3A_433 = arith.constant 22 : i32
    %dma_wait3A_434 = arith.constant 11264 : i32
    %dma_wait3A_435 = tpu.memref_slice %arg6[%dma_wait3A_434] : memref<13312xi32, #tpu.memory_space<vmem>> -> memref<512xi32, #tpu.memory_space<vmem>>
    %dma_wait3A_436 = tpu.memref_slice %arg2[%dma_wait3A_433, %mul3A_2] : memref<26x16384xi32, #tpu.memory_space<hbm>> -> memref<1x512xi32, #tpu.memory_space<hbm>>
    %dma_wait3A_437 = tpu.memref_squeeze %dma_wait3A_436 : memref<1x512xi32, #tpu.memory_space<hbm>> -> memref<512xi32, #tpu.memory_space<hbm>>
    %dma_wait3A_438 = arith.constant 11264 : i32
    %dma_wait3A_439 = tpu.memref_slice %arg6[%dma_wait3A_438] : memref<13312xi32, #tpu.memory_space<vmem>> -> memref<512xi32, #tpu.memory_space<vmem>>
    %dma_wait3A_440 = tpu.memref_slice %arg2[%dma_wait3A_433, %mul3A_2] : memref<26x16384xi32, #tpu.memory_space<hbm>> -> memref<1x512xi32, #tpu.memory_space<hbm>>
    %dma_wait3A_441 = tpu.memref_squeeze %dma_wait3A_440 : memref<1x512xi32, #tpu.memory_space<hbm>> -> memref<512xi32, #tpu.memory_space<hbm>>
    tpu.wait_dma2 semaphore(%arg10 : memref<!tpu.dma_semaphore, #tpu.memory_space<semaphore_mem>>) src(%dma_wait3A_441 : memref<512xi32, #tpu.memory_space<hbm>>) dst(%dma_wait3A_439 : memref<512xi32, #tpu.memory_space<vmem>>)
    %dma_wait3A_442 = arith.constant 23 : i32
    %dma_wait3A_443 = arith.constant 11776 : i32
    %dma_wait3A_444 = tpu.memref_slice %arg6[%dma_wait3A_443] : memref<13312xi32, #tpu.memory_space<vmem>> -> memref<512xi32, #tpu.memory_space<vmem>>
    %dma_wait3A_445 = tpu.memref_slice %arg2[%dma_wait3A_442, %mul3A_2] : memref<26x16384xi32, #tpu.memory_space<hbm>> -> memref<1x512xi32, #tpu.memory_space<hbm>>
    %dma_wait3A_446 = tpu.memref_squeeze %dma_wait3A_445 : memref<1x512xi32, #tpu.memory_space<hbm>> -> memref<512xi32, #tpu.memory_space<hbm>>
    %dma_wait3A_447 = arith.constant 11776 : i32
    %dma_wait3A_448 = tpu.memref_slice %arg6[%dma_wait3A_447] : memref<13312xi32, #tpu.memory_space<vmem>> -> memref<512xi32, #tpu.memory_space<vmem>>
    %dma_wait3A_449 = tpu.memref_slice %arg2[%dma_wait3A_442, %mul3A_2] : memref<26x16384xi32, #tpu.memory_space<hbm>> -> memref<1x512xi32, #tpu.memory_space<hbm>>
    %dma_wait3A_450 = tpu.memref_squeeze %dma_wait3A_449 : memref<1x512xi32, #tpu.memory_space<hbm>> -> memref<512xi32, #tpu.memory_space<hbm>>
    tpu.wait_dma2 semaphore(%arg10 : memref<!tpu.dma_semaphore, #tpu.memory_space<semaphore_mem>>) src(%dma_wait3A_450 : memref<512xi32, #tpu.memory_space<hbm>>) dst(%dma_wait3A_448 : memref<512xi32, #tpu.memory_space<vmem>>)
    %dma_wait3A_451 = arith.constant 24 : i32
    %dma_wait3A_452 = arith.constant 12288 : i32
    %dma_wait3A_453 = tpu.memref_slice %arg6[%dma_wait3A_452] : memref<13312xi32, #tpu.memory_space<vmem>> -> memref<512xi32, #tpu.memory_space<vmem>>
    %dma_wait3A_454 = tpu.memref_slice %arg2[%dma_wait3A_451, %mul3A_2] : memref<26x16384xi32, #tpu.memory_space<hbm>> -> memref<1x512xi32, #tpu.memory_space<hbm>>
    %dma_wait3A_455 = tpu.memref_squeeze %dma_wait3A_454 : memref<1x512xi32, #tpu.memory_space<hbm>> -> memref<512xi32, #tpu.memory_space<hbm>>
    %dma_wait3A_456 = arith.constant 12288 : i32
    %dma_wait3A_457 = tpu.memref_slice %arg6[%dma_wait3A_456] : memref<13312xi32, #tpu.memory_space<vmem>> -> memref<512xi32, #tpu.memory_space<vmem>>
    %dma_wait3A_458 = tpu.memref_slice %arg2[%dma_wait3A_451, %mul3A_2] : memref<26x16384xi32, #tpu.memory_space<hbm>> -> memref<1x512xi32, #tpu.memory_space<hbm>>
    %dma_wait3A_459 = tpu.memref_squeeze %dma_wait3A_458 : memref<1x512xi32, #tpu.memory_space<hbm>> -> memref<512xi32, #tpu.memory_space<hbm>>
    tpu.wait_dma2 semaphore(%arg10 : memref<!tpu.dma_semaphore, #tpu.memory_space<semaphore_mem>>) src(%dma_wait3A_459 : memref<512xi32, #tpu.memory_space<hbm>>) dst(%dma_wait3A_457 : memref<512xi32, #tpu.memory_space<vmem>>)
    %dma_wait3A_460 = arith.constant 25 : i32
    %dma_wait3A_461 = arith.constant 12800 : i32
    %dma_wait3A_462 = tpu.memref_slice %arg6[%dma_wait3A_461] : memref<13312xi32, #tpu.memory_space<vmem>> -> memref<512xi32, #tpu.memory_space<vmem>>
    %dma_wait3A_463 = tpu.memref_slice %arg2[%dma_wait3A_460, %mul3A_2] : memref<26x16384xi32, #tpu.memory_space<hbm>> -> memref<1x512xi32, #tpu.memory_space<hbm>>
    %dma_wait3A_464 = tpu.memref_squeeze %dma_wait3A_463 : memref<1x512xi32, #tpu.memory_space<hbm>> -> memref<512xi32, #tpu.memory_space<hbm>>
    %dma_wait3A_465 = arith.constant 12800 : i32
    %dma_wait3A_466 = tpu.memref_slice %arg6[%dma_wait3A_465] : memref<13312xi32, #tpu.memory_space<vmem>> -> memref<512xi32, #tpu.memory_space<vmem>>
    %dma_wait3A_467 = tpu.memref_slice %arg2[%dma_wait3A_460, %mul3A_2] : memref<26x16384xi32, #tpu.memory_space<hbm>> -> memref<1x512xi32, #tpu.memory_space<hbm>>
    %dma_wait3A_468 = tpu.memref_squeeze %dma_wait3A_467 : memref<1x512xi32, #tpu.memory_space<hbm>> -> memref<512xi32, #tpu.memory_space<hbm>>
    tpu.wait_dma2 semaphore(%arg10 : memref<!tpu.dma_semaphore, #tpu.memory_space<semaphore_mem>>) src(%dma_wait3A_468 : memref<512xi32, #tpu.memory_space<hbm>>) dst(%dma_wait3A_466 : memref<512xi32, #tpu.memory_space<vmem>>)
    %dma_start3A_469 = arith.constant 0 : i32
    %dma_start3A_470 = arith.constant 0 : i32
    %dma_start3A_471 = tpu.memref_slice %arg3[%dma_start3A_469, %dma_start3A_470] : memref<1x1000000xf32, #tpu.memory_space<hbm>> -> memref<1x1000000xf32, #tpu.memory_space<hbm>>
    %dma_start3A_472 = tpu.memref_squeeze %dma_start3A_471 : memref<1x1000000xf32, #tpu.memory_space<hbm>> -> memref<1000000xf32, #tpu.memory_space<hbm>>
    %dma_start3A_473 = arith.constant 0 : i32
    %dma_start3A_474 = tpu.memref_slice %dma_start3A_472[%dma_start3A_473] : memref<1000000xf32, #tpu.memory_space<hbm>> -> memref<1000000xf32, #tpu.memory_space<hbm>>
    tpu.enqueue_indirect_dma source(%dma_start3A_474 : memref<1000000xf32, #tpu.memory_space<hbm>>) target(%arg7 : memref<13312xf32, #tpu.memory_space<vmem>>) offsets(%arg6 : memref<13312xi32, #tpu.memory_space<vmem>>) semaphore(%arg10 : memref<!tpu.dma_semaphore, #tpu.memory_space<semaphore_mem>>)
    %dma_wait3A_475 = arith.constant 0 : i32
    %dma_wait3A_476 = arith.constant 0 : i32
    %dma_wait3A_477 = tpu.memref_slice %arg3[%dma_wait3A_475, %dma_wait3A_476] : memref<1x1000000xf32, #tpu.memory_space<hbm>> -> memref<1x1000000xf32, #tpu.memory_space<hbm>>
    %dma_wait3A_478 = tpu.memref_squeeze %dma_wait3A_477 : memref<1x1000000xf32, #tpu.memory_space<hbm>> -> memref<1000000xf32, #tpu.memory_space<hbm>>
    %dma_wait3A_479 = arith.constant 0 : i32
    %dma_wait3A_480 = tpu.memref_slice %dma_wait3A_478[%dma_wait3A_479] : memref<1000000xf32, #tpu.memory_space<hbm>> -> memref<1000000xf32, #tpu.memory_space<hbm>>
    tpu.wait_indirect_dma semaphore(%arg10 : memref<!tpu.dma_semaphore, #tpu.memory_space<semaphore_mem>>) src(%dma_wait3A_480 : memref<1000000xf32, #tpu.memory_space<hbm>>) dst(%arg7 : memref<13312xf32, #tpu.memory_space<vmem>>)
    %get3A = arith.constant 0 : index
    %get3A_481 = tpu.vector_load %arg9[%get3A] {strides = array<i32>} : memref<16xf32, #tpu.memory_space<vmem>>, vector<16xf32>,
    %scan3A = arith.constant 0 : i32
    %scan3A_482 = arith.constant 0 : i32
    %scan3A_483 = arith.constant 32 : i32
    %scan3A_484 = arith.addi %scan3A_482, %scan3A_483 : i32
    %scan3A_485 = arith.constant 1 : i32
    scf.for %scan3A_487 = %scan3A_482 to %scan3A_484 step %scan3A_485  : i32 {
      %mul3A_488 = arith.constant 16 : i32
      %mul3A_489 = arith.muli %scan3A_487, %mul3A_488 : i32
      %add3A_490 = arith.constant 0 : i32
      %add3A_491 = arith.addi %add3A_490, %mul3A_489 : i32
      %get3A_492 = arith.index_cast %add3A_491 : i32 to index
      %get3A_493 = tpu.vector_load %arg7[%get3A_492] {strides = array<i32>} : memref<13312xf32, #tpu.memory_space<vmem>>, vector<16xf32>,
      %add3A_494 = arith.addf %get3A_481, %get3A_493 : vector<16xf32>
      %mul3A_495 = arith.constant 16 : i32
      %mul3A_496 = arith.muli %scan3A_487, %mul3A_495 : i32
      %add3A_497 = arith.constant 512 : i32
      %add3A_498 = arith.addi %add3A_497, %mul3A_496 : i32
      %get3A_499 = arith.index_cast %add3A_498 : i32 to index
      %get3A_500 = tpu.vector_load %arg7[%get3A_499] {strides = array<i32>} : memref<13312xf32, #tpu.memory_space<vmem>>, vector<16xf32>,
      %add3A_501 = arith.constant 0.000000e+00 : f32
      %add3A_502 = vector.broadcast %add3A_501 : f32 to vector<16xf32>
      %add3A_503 = arith.addf %add3A_502, %get3A_500 : vector<16xf32>
      %mul3A_504 = arith.constant 16 : i32
      %mul3A_505 = arith.muli %scan3A_487, %mul3A_504 : i32
      %add3A_506 = arith.constant 1024 : i32
      %add3A_507 = arith.addi %add3A_506, %mul3A_505 : i32
      %get3A_508 = arith.index_cast %add3A_507 : i32 to index
      %get3A_509 = tpu.vector_load %arg7[%get3A_508] {strides = array<i32>} : memref<13312xf32, #tpu.memory_space<vmem>>, vector<16xf32>,
      %add3A_510 = arith.constant 0.000000e+00 : f32
      %add3A_511 = vector.broadcast %add3A_510 : f32 to vector<16xf32>
      %add3A_512 = arith.addf %add3A_511, %get3A_509 : vector<16xf32>
      %mul3A_513 = arith.constant 16 : i32
      %mul3A_514 = arith.muli %scan3A_487, %mul3A_513 : i32
      %add3A_515 = arith.constant 1536 : i32
      %add3A_516 = arith.addi %add3A_515, %mul3A_514 : i32
      %get3A_517 = arith.index_cast %add3A_516 : i32 to index
      %get3A_518 = tpu.vector_load %arg7[%get3A_517] {strides = array<i32>} : memref<13312xf32, #tpu.memory_space<vmem>>, vector<16xf32>,
      %add3A_519 = arith.addf %add3A_494, %get3A_518 : vector<16xf32>
      %mul3A_520 = arith.constant 16 : i32
      %mul3A_521 = arith.muli %scan3A_487, %mul3A_520 : i32
      %add3A_522 = arith.constant 2048 : i32
      %add3A_523 = arith.addi %add3A_522, %mul3A_521 : i32
      %get3A_524 = arith.index_cast %add3A_523 : i32 to index
      %get3A_525 = tpu.vector_load %arg7[%get3A_524] {strides = array<i32>} : memref<13312xf32, #tpu.memory_space<vmem>>, vector<16xf32>,
      %add3A_526 = arith.addf %add3A_503, %get3A_525 : vector<16xf32>
      %mul3A_527 = arith.constant 16 : i32
      %mul3A_528 = arith.muli %scan3A_487, %mul3A_527 : i32
      %add3A_529 = arith.constant 2560 : i32
      %add3A_530 = arith.addi %add3A_529, %mul3A_528 : i32
      %get3A_531 = arith.index_cast %add3A_530 : i32 to index
      %get3A_532 = tpu.vector_load %arg7[%get3A_531] {strides = array<i32>} : memref<13312xf32, #tpu.memory_space<vmem>>, vector<16xf32>,
      %add3A_533 = arith.addf %add3A_512, %get3A_532 : vector<16xf32>
      %mul3A_534 = arith.constant 16 : i32
      %mul3A_535 = arith.muli %scan3A_487, %mul3A_534 : i32
      %add3A_536 = arith.constant 3072 : i32
      %add3A_537 = arith.addi %add3A_536, %mul3A_535 : i32
      %get3A_538 = arith.index_cast %add3A_537 : i32 to index
      %get3A_539 = tpu.vector_load %arg7[%get3A_538] {strides = array<i32>} : memref<13312xf32, #tpu.memory_space<vmem>>, vector<16xf32>,
      %add3A_540 = arith.addf %add3A_519, %get3A_539 : vector<16xf32>
      %mul3A_541 = arith.constant 16 : i32
      %mul3A_542 = arith.muli %scan3A_487, %mul3A_541 : i32
      %add3A_543 = arith.constant 3584 : i32
      %add3A_544 = arith.addi %add3A_543, %mul3A_542 : i32
      %get3A_545 = arith.index_cast %add3A_544 : i32 to index
      %get3A_546 = tpu.vector_load %arg7[%get3A_545] {strides = array<i32>} : memref<13312xf32, #tpu.memory_space<vmem>>, vector<16xf32>,
      %add3A_547 = arith.addf %add3A_526, %get3A_546 : vector<16xf32>
      %mul3A_548 = arith.constant 16 : i32
      %mul3A_549 = arith.muli %scan3A_487, %mul3A_548 : i32
      %add3A_550 = arith.constant 4096 : i32
      %add3A_551 = arith.addi %add3A_550, %mul3A_549 : i32
      %get3A_552 = arith.index_cast %add3A_551 : i32 to index
      %get3A_553 = tpu.vector_load %arg7[%get3A_552] {strides = array<i32>} : memref<13312xf32, #tpu.memory_space<vmem>>, vector<16xf32>,
      %add3A_554 = arith.addf %add3A_533, %get3A_553 : vector<16xf32>
      %mul3A_555 = arith.constant 16 : i32
      %mul3A_556 = arith.muli %scan3A_487, %mul3A_555 : i32
      %add3A_557 = arith.constant 4608 : i32
      %add3A_558 = arith.addi %add3A_557, %mul3A_556 : i32
      %get3A_559 = arith.index_cast %add3A_558 : i32 to index
      %get3A_560 = tpu.vector_load %arg7[%get3A_559] {strides = array<i32>} : memref<13312xf32, #tpu.memory_space<vmem>>, vector<16xf32>,
      %add3A_561 = arith.addf %add3A_540, %get3A_560 : vector<16xf32>
      %mul3A_562 = arith.constant 16 : i32
      %mul3A_563 = arith.muli %scan3A_487, %mul3A_562 : i32
      %add3A_564 = arith.constant 5120 : i32
      %add3A_565 = arith.addi %add3A_564, %mul3A_563 : i32
      %get3A_566 = arith.index_cast %add3A_565 : i32 to index
      %get3A_567 = tpu.vector_load %arg7[%get3A_566] {strides = array<i32>} : memref<13312xf32, #tpu.memory_space<vmem>>, vector<16xf32>,
      %add3A_568 = arith.addf %add3A_547, %get3A_567 : vector<16xf32>
      %mul3A_569 = arith.constant 16 : i32
      %mul3A_570 = arith.muli %scan3A_487, %mul3A_569 : i32
      %add3A_571 = arith.constant 5632 : i32
      %add3A_572 = arith.addi %add3A_571, %mul3A_570 : i32
      %get3A_573 = arith.index_cast %add3A_572 : i32 to index
      %get3A_574 = tpu.vector_load %arg7[%get3A_573] {strides = array<i32>} : memref<13312xf32, #tpu.memory_space<vmem>>, vector<16xf32>,
      %add3A_575 = arith.addf %add3A_554, %get3A_574 : vector<16xf32>
      %mul3A_576 = arith.constant 16 : i32
      %mul3A_577 = arith.muli %scan3A_487, %mul3A_576 : i32
      %add3A_578 = arith.constant 6144 : i32
      %add3A_579 = arith.addi %add3A_578, %mul3A_577 : i32
      %get3A_580 = arith.index_cast %add3A_579 : i32 to index
      %get3A_581 = tpu.vector_load %arg7[%get3A_580] {strides = array<i32>} : memref<13312xf32, #tpu.memory_space<vmem>>, vector<16xf32>,
      %add3A_582 = arith.addf %add3A_561, %get3A_581 : vector<16xf32>
      %mul3A_583 = arith.constant 16 : i32
      %mul3A_584 = arith.muli %scan3A_487, %mul3A_583 : i32
      %add3A_585 = arith.constant 6656 : i32
      %add3A_586 = arith.addi %add3A_585, %mul3A_584 : i32
      %get3A_587 = arith.index_cast %add3A_586 : i32 to index
      %get3A_588 = tpu.vector_load %arg7[%get3A_587] {strides = array<i32>} : memref<13312xf32, #tpu.memory_space<vmem>>, vector<16xf32>,
      %add3A_589 = arith.addf %add3A_568, %get3A_588 : vector<16xf32>
      %mul3A_590 = arith.constant 16 : i32
      %mul3A_591 = arith.muli %scan3A_487, %mul3A_590 : i32
      %add3A_592 = arith.constant 7168 : i32
      %add3A_593 = arith.addi %add3A_592, %mul3A_591 : i32
      %get3A_594 = arith.index_cast %add3A_593 : i32 to index
      %get3A_595 = tpu.vector_load %arg7[%get3A_594] {strides = array<i32>} : memref<13312xf32, #tpu.memory_space<vmem>>, vector<16xf32>,
      %add3A_596 = arith.addf %add3A_575, %get3A_595 : vector<16xf32>
      %mul3A_597 = arith.constant 16 : i32
      %mul3A_598 = arith.muli %scan3A_487, %mul3A_597 : i32
      %add3A_599 = arith.constant 7680 : i32
      %add3A_600 = arith.addi %add3A_599, %mul3A_598 : i32
      %get3A_601 = arith.index_cast %add3A_600 : i32 to index
      %get3A_602 = tpu.vector_load %arg7[%get3A_601] {strides = array<i32>} : memref<13312xf32, #tpu.memory_space<vmem>>, vector<16xf32>,
      %add3A_603 = arith.addf %add3A_582, %get3A_602 : vector<16xf32>
      %mul3A_604 = arith.constant 16 : i32
      %mul3A_605 = arith.muli %scan3A_487, %mul3A_604 : i32
      %add3A_606 = arith.constant 8192 : i32
      %add3A_607 = arith.addi %add3A_606, %mul3A_605 : i32
      %get3A_608 = arith.index_cast %add3A_607 : i32 to index
      %get3A_609 = tpu.vector_load %arg7[%get3A_608] {strides = array<i32>} : memref<13312xf32, #tpu.memory_space<vmem>>, vector<16xf32>,
      %add3A_610 = arith.addf %add3A_589, %get3A_609 : vector<16xf32>
      %mul3A_611 = arith.constant 16 : i32
      %mul3A_612 = arith.muli %scan3A_487, %mul3A_611 : i32
      %add3A_613 = arith.constant 8704 : i32
      %add3A_614 = arith.addi %add3A_613, %mul3A_612 : i32
      %get3A_615 = arith.index_cast %add3A_614 : i32 to index
      %get3A_616 = tpu.vector_load %arg7[%get3A_615] {strides = array<i32>} : memref<13312xf32, #tpu.memory_space<vmem>>, vector<16xf32>,
      %add3A_617 = arith.addf %add3A_596, %get3A_616 : vector<16xf32>
      %mul3A_618 = arith.constant 16 : i32
      %mul3A_619 = arith.muli %scan3A_487, %mul3A_618 : i32
      %add3A_620 = arith.constant 9216 : i32
      %add3A_621 = arith.addi %add3A_620, %mul3A_619 : i32
      %get3A_622 = arith.index_cast %add3A_621 : i32 to index
      %get3A_623 = tpu.vector_load %arg7[%get3A_622] {strides = array<i32>} : memref<13312xf32, #tpu.memory_space<vmem>>, vector<16xf32>,
      %add3A_624 = arith.addf %add3A_603, %get3A_623 : vector<16xf32>
      %mul3A_625 = arith.constant 16 : i32
      %mul3A_626 = arith.muli %scan3A_487, %mul3A_625 : i32
      %add3A_627 = arith.constant 9728 : i32
      %add3A_628 = arith.addi %add3A_627, %mul3A_626 : i32
      %get3A_629 = arith.index_cast %add3A_628 : i32 to index
      %get3A_630 = tpu.vector_load %arg7[%get3A_629] {strides = array<i32>} : memref<13312xf32, #tpu.memory_space<vmem>>, vector<16xf32>,
      %add3A_631 = arith.addf %add3A_610, %get3A_630 : vector<16xf32>
      %mul3A_632 = arith.constant 16 : i32
      %mul3A_633 = arith.muli %scan3A_487, %mul3A_632 : i32
      %add3A_634 = arith.constant 10240 : i32
      %add3A_635 = arith.addi %add3A_634, %mul3A_633 : i32
      %get3A_636 = arith.index_cast %add3A_635 : i32 to index
      %get3A_637 = tpu.vector_load %arg7[%get3A_636] {strides = array<i32>} : memref<13312xf32, #tpu.memory_space<vmem>>, vector<16xf32>,
      %add3A_638 = arith.addf %add3A_617, %get3A_637 : vector<16xf32>
      %mul3A_639 = arith.constant 16 : i32
      %mul3A_640 = arith.muli %scan3A_487, %mul3A_639 : i32
      %add3A_641 = arith.constant 10752 : i32
      %add3A_642 = arith.addi %add3A_641, %mul3A_640 : i32
      %get3A_643 = arith.index_cast %add3A_642 : i32 to index
      %get3A_644 = tpu.vector_load %arg7[%get3A_643] {strides = array<i32>} : memref<13312xf32, #tpu.memory_space<vmem>>, vector<16xf32>,
      %add3A_645 = arith.addf %add3A_624, %get3A_644 : vector<16xf32>
      %mul3A_646 = arith.constant 16 : i32
      %mul3A_647 = arith.muli %scan3A_487, %mul3A_646 : i32
      %add3A_648 = arith.constant 11264 : i32
      %add3A_649 = arith.addi %add3A_648, %mul3A_647 : i32
      %get3A_650 = arith.index_cast %add3A_649 : i32 to index
      %get3A_651 = tpu.vector_load %arg7[%get3A_650] {strides = array<i32>} : memref<13312xf32, #tpu.memory_space<vmem>>, vector<16xf32>,
      %add3A_652 = arith.addf %add3A_631, %get3A_651 : vector<16xf32>
      %mul3A_653 = arith.constant 16 : i32
      %mul3A_654 = arith.muli %scan3A_487, %mul3A_653 : i32
      %add3A_655 = arith.constant 11776 : i32
      %add3A_656 = arith.addi %add3A_655, %mul3A_654 : i32
      %get3A_657 = arith.index_cast %add3A_656 : i32 to index
      %get3A_658 = tpu.vector_load %arg7[%get3A_657] {strides = array<i32>} : memref<13312xf32, #tpu.memory_space<vmem>>, vector<16xf32>,
      %add3A_659 = arith.addf %add3A_638, %get3A_658 : vector<16xf32>
      %mul3A_660 = arith.constant 16 : i32
      %mul3A_661 = arith.muli %scan3A_487, %mul3A_660 : i32
      %add3A_662 = arith.constant 12288 : i32
      %add3A_663 = arith.addi %add3A_662, %mul3A_661 : i32
      %get3A_664 = arith.index_cast %add3A_663 : i32 to index
      %get3A_665 = tpu.vector_load %arg7[%get3A_664] {strides = array<i32>} : memref<13312xf32, #tpu.memory_space<vmem>>, vector<16xf32>,
      %add3A_666 = arith.addf %add3A_645, %get3A_665 : vector<16xf32>
      %mul3A_667 = arith.constant 16 : i32
      %mul3A_668 = arith.muli %scan3A_487, %mul3A_667 : i32
      %add3A_669 = arith.constant 12800 : i32
      %add3A_670 = arith.addi %add3A_669, %mul3A_668 : i32
      %get3A_671 = arith.index_cast %add3A_670 : i32 to index
      %get3A_672 = tpu.vector_load %arg7[%get3A_671] {strides = array<i32>} : memref<13312xf32, #tpu.memory_space<vmem>>, vector<16xf32>,
      %add3A_673 = arith.addf %add3A_652, %get3A_672 : vector<16xf32>
      %add3A_674 = arith.addf %add3A_666, %add3A_673 : vector<16xf32>
      %add3A_675 = arith.addf %add3A_674, %add3A_659 : vector<16xf32>
      %neg3A = arith.constant 0.000000e+00 : f32
      %neg3A_676 = vector.broadcast %neg3A : f32 to vector<16xf32>
      %neg3A_677 = arith.subf %neg3A_676, %add3A_675 : vector<16xf32>
      %exp3A = math.exp %neg3A_677 : vector<16xf32>
      %add3A_678 = arith.constant 1.000000e+00 : f32
      %add3A_679 = vector.broadcast %add3A_678 : f32 to vector<16xf32>
      %add3A_680 = arith.addf %add3A_679, %exp3A : vector<16xf32>
      %div3A = arith.constant 1.000000e+00 : f32
      %div3A_681 = vector.broadcast %div3A : f32 to vector<16xf32>
      %div3A_682 = arith.divf %div3A_681, %add3A_680 : vector<16xf32>
      %mul3A_683 = arith.constant 16 : i32
      %mul3A_684 = arith.muli %scan3A_487, %mul3A_683 : i32
      %swap3A = arith.index_cast %mul3A_684 : i32 to index
      %swap3A_685 = tpu.vector_load %arg8[%swap3A] {strides = array<i32>} : memref<512xf32, #tpu.memory_space<vmem>>, vector<16xf32>,
      tpu.vector_store %arg8[%swap3A], %div3A_682 {strides = array<i32>} : memref<512xf32, #tpu.memory_space<vmem>>, vector<16xf32>,
    }
    %scan3A_486 = arith.constant 32 : i32
    "tpu.region"() ({
      %run_scoped3A = tpu.sem_alloc : memref<!tpu.dma_semaphore, #tpu.memory_space<semaphore_mem>>
      %dma_start3A_487 = tpu.memref_slice %arg5[%mul3A_2] : memref<16384xf32, #tpu.memory_space<hbm>> -> memref<512xf32, #tpu.memory_space<hbm>>
      %dma_start3A_488 = tpu.memref_slice %arg5[%mul3A_2] : memref<16384xf32, #tpu.memory_space<hbm>> -> memref<512xf32, #tpu.memory_space<hbm>>
      tpu.enqueue_dma source(%arg8 : memref<512xf32, #tpu.memory_space<vmem>>) target(%dma_start3A_488 : memref<512xf32, #tpu.memory_space<hbm>>) target_semaphore(%run_scoped3A : memref<!tpu.dma_semaphore, #tpu.memory_space<semaphore_mem>>)
      %dma_wait3A_489 = tpu.memref_slice %arg5[%mul3A_2] : memref<16384xf32, #tpu.memory_space<hbm>> -> memref<512xf32, #tpu.memory_space<hbm>>
      %dma_wait3A_490 = tpu.memref_slice %arg5[%mul3A_2] : memref<16384xf32, #tpu.memory_space<hbm>> -> memref<512xf32, #tpu.memory_space<hbm>>
      tpu.wait_dma2 semaphore(%run_scoped3A : memref<!tpu.dma_semaphore, #tpu.memory_space<semaphore_mem>>) src(%arg8 : memref<512xf32, #tpu.memory_space<vmem>>) dst(%dma_wait3A_490 : memref<512xf32, #tpu.memory_space<hbm>>)
      tpu.yield
    }) : () -> ()
    return
  }
}

</mosaic_0001>

<sc_bundles>
// kernel: kernel.3.cloned.1.call-start
scs
__scs_entry_jumppad:
0x0: {  	(pc) =	sbr.rel $0x88, $3  }
0x1: {  	(tag) =	ssettag $0x0;
	lr =	simm.s32 $0x1  }
0x2: {  	[smem:$0x3F9E] =	sst lr;
	_ =	strace $0xD0000000  }
0x3: {  	_ = 	snop  }
0x4: {  	_ = 	snop  }
0x5: {  	_ = 	snop  }
0x6: {  	_ = 	snop  }
0x7: {  	_ = 	snop  }
__scs_overlays_trampoline_lowered:
0x8: {  	[smem:$0x3FAD] =	sst s0  }
0x9: {  	[smem:$0x3FAE] =	sst s1  }
0xa: {  	[smem:$0x3FAF] =	sst s2  }
0xb: {  	[smem:$0x3FB0] =	sst s3  }
0xc: {  	[smem:$0x3FB1] =	sst s4  }
0xd: {  	[smem:$0x3FB2] =	sst s5  }
0xe: {  	[smem:$0x3FB3] =	sst s6  }
0xf: {  	[smem:$0x3FB4] =	sst s7  }
0x10: {  	[smem:$0x3FB5] =	sst s8  }
0x11: {  	[smem:$0x3FB6] =	sst s9;
	s0 =	simm.s32 @!p0 $0x0  }
0x12: {  	s1 =	sld [smem:$0x3F9C];
	s0 =	simm.s32 @p0 $0x1  }
0x13: {  	[smem:$0x3FB7] =	sst s0;
	s0 =	simm.s32 @!p1 $0x0  }
0x14: {  	s2 =	sld [smem:$0x3F9B];
	s0 =	simm.s32 @p1 $0x1  }
0x15: {  	[smem:$0x3FB8] =	sst s0;
	s0 =	simm.s32 @!p2 $0x0  }
0x16: {  	s3 =	sld [smem:$0x3FDB];
	s0 =	simm.s32 @p2 $0x1  }
0x17: {  	s4 =	simm.s32 $0x1BF5;
	[smem:$0x3FBA] =	sst s0  }
0x18: {  	s0 =	sld [smem:$0x3F9D];
	_ =	swait.ge [sflag:s4], $0x0  }
0x19: {  	s7 =	sld [smem:$0x3F9E]  }
0x1a: {  	s8 =	sadd.s32 $0xFFFFE003, lr  }
0x1b: {  	s9 =	sadd.s32 $0xFFFFFEF7, lr;
	s5 =	simm.s32 $0xFFFFFFFF;
	p2 =	slt.u32 s8, $0xFFFFF086  }
0x1c: {  	p1 =	slt.u32 s9, $0xF7A;
	s5 =	simm.s32 @!p2 $0x0  }
0x1d: {  	s5 =	simm.s32 @p1 $0x1;
	p0 =	seq.s32 s7, s2  }
0x1e: {  	s7 =	smul.u32 @!p0 $0xF7A, s2;
	p2 =	seq.s32 @!p0 s5, $0x0  }
0x1f: {  	s9 =	smul.u32 $0xF7A, s1;
	s8 =	simm.s32 @!p0 $0x1BF5;
	p2 =	por !p2, p0  }
0x20: {  	[sflag:s8] =	ssyncset.s32 @!p0 $0xFFFFF086;
	s6 =	sadd.s32 @!p0 s3, s7;
	s7 =	simm.s32 @!p0 $0x108  }
0x21: {  	s3 =	sadd.s32 s3, s9;
	s6 =	sadd.s32 @!p0 $0x88, s6;
	s7 =	simm.s32 @p2 $0x1082  }
0x22: {  	[simem:s7], [sflag:s8] =	dma.local @!p0 [hbm:s6], $0xF7A  }
0x23: {  	s9 =	sor.u32 $0xD0000000, s2;
	s6 =	simm.s32 $0x108;
	_ =	swait.ge @!p0 [sflag:s8], $0x0  }
0x24: {  	s3 =	sadd.s32 $0x88, s3;
	s6 =	simm.s32 @!p1 $0x1082;
	[sflag:s4] =	ssyncset.s32 $0xFFFFF086  }
0x25: {  	[simem:s6], [sflag:s4] =	dma.local [hbm:s3], $0xF7A  }
0x26: {  	[smem:$0x3F9E] =	sst s1;
	(tag) =	ssettag s2;
	_ =	strace s9  }
0x27: {  	s1 =	sld [smem:$0x3FAE]  }
0x28: {  	s2 =	sld [smem:$0x3FAF]  }
0x29: {  	s4 =	sld [smem:$0x3FB1]  }
0x2a: {  	p0 =	seq.s32 s5, $0x0;
	s5 =	sld [smem:$0x3FB2]  }
0x2b: {  	s6 =	sld [smem:$0x3FB3]  }
0x2c: {  	s7 =	sld [smem:$0x3FB4]  }
0x2d: {  	s3 =	simm.s32 $0x108;
	s8 =	sld [smem:$0x3FB5]  }
0x2e: {  	s3 =	simm.s32 @!p0 $0x1082;
	s9 =	sld [smem:$0x3FB6]  }
0x2f: {  	lr =	sadd.s32 s0, s3;
	s0 =	sld [smem:$0x3FAD]  }
0x30: {  	s3 =	sld [smem:$0x3FB0]  }
0x31: {  	[smem:$0x3FB9] =	sst s10  }
0x32: {  	s10 =	sld [smem:$0x3FB7];
	_ =	sdelay $0x3  }
0x33: {  	p0 =	seq.s32 s10, $0x1;
	s10 =	sld [smem:$0x3FB9];
	_ =	sdelay $0x3  }
0x34: {  	[smem:$0x3FB9] =	sst s10  }
0x35: {  	s10 =	sld [smem:$0x3FB8];
	_ =	sdelay $0x3  }
0x36: {  	p1 =	seq.s32 s10, $0x1;
	s10 =	sld [smem:$0x3FB9];
	_ =	sdelay $0x3  }
0x37: {  	[smem:$0x3FB9] =	sst s10  }
0x38: {  	s10 =	sld [smem:$0x3FBA]  }
0x39: {  	_ = 	snop;
	(pc) =	sbr.ind lr, $3  }
0x3a: {  	_ = 	snop  }
0x3b: {  	_ = 	snop  }
0x3c: {  	p2 =	seq.s32 s10, $0x1;
	s10 =	sld [smem:$0x3FB9]  }
0x3d: {  	_ =	shalt  }
0x3e: {  	_ =	shalt  }
0x3f: {  	_ =	shalt  }
0x40: {  	_ =	shalt  }
0x41: {  	_ =	shalt  }
0x42: {  	_ =	shalt  }
0x43: {  	_ =	shalt  }
0x44: {  	_ =	shalt  }
0x45: {  	_ =	shalt  }
0x46: {  	_ =	shalt  }
0x47: {  	_ =	shalt  }
0x48: {  	_ =	shalt  }
0x49: {  	_ =	shalt  }
0x4a: {  	_ =	shalt  }
0x4b: {  	_ =	shalt  }
0x4c: {  	_ =	shalt  }
0x4d: {  	_ =	shalt  }
0x4e: {  	_ =	shalt  }
0x4f: {  	_ =	shalt  }
0x50: {  	_ =	shalt  }
0x51: {  	_ =	shalt  }
0x52: {  	_ =	shalt  }
0x53: {  	_ =	shalt  }
0x54: {  	_ =	shalt  }
0x55: {  	_ =	shalt  }
0x56: {  	_ =	shalt  }
0x57: {  	_ =	shalt  }
0x58: {  	_ =	shalt  }
0x59: {  	_ =	shalt  }
0x5a: {  	_ =	shalt  }
0x5b: {  	_ =	shalt  }
0x5c: {  	_ =	shalt  }
0x5d: {  	_ =	shalt  }
0x5e: {  	_ =	shalt  }
0x5f: {  	_ =	shalt  }
0x60: {  	_ =	shalt  }
0x61: {  	_ =	shalt  }
0x62: {  	_ =	shalt  }
0x63: {  	_ =	shalt  }
0x64: {  	_ =	shalt  }
0x65: {  	_ =	shalt  }
0x66: {  	_ =	shalt  }
0x67: {  	_ =	shalt  }
0x68: {  	_ =	shalt  }
0x69: {  	_ =	shalt  }
0x6a: {  	_ =	shalt  }
0x6b: {  	_ =	shalt  }
0x6c: {  	_ =	shalt  }
0x6d: {  	_ =	shalt  }
0x6e: {  	_ =	shalt  }
0x6f: {  	_ =	shalt  }
0x70: {  	_ =	shalt  }
0x71: {  	_ =	shalt  }
0x72: {  	_ =	shalt  }
0x73: {  	_ =	shalt  }
0x74: {  	_ =	shalt  }
0x75: {  	_ =	shalt  }
0x76: {  	_ =	shalt  }
0x77: {  	_ =	shalt  }
0x78: {  	_ =	shalt  }
0x79: {  	_ =	shalt  }
0x7a: {  	_ =	shalt  }
0x7b: {  	_ =	shalt  }
0x7c: {  	_ =	shalt  }
0x7d: {  	_ =	shalt  }
0x7e: {  	_ =	shalt  }
0x7f: {  	_ =	shalt  }
0x80: {  	_ =	shalt  }
0x81: {  	_ =	shalt  }
0x82: {  	_ =	shalt  }
0x83: {  	_ =	shalt  }
0x84: {  	_ =	shalt  }
0x85: {  	_ =	shalt  }
0x86: {  	_ =	shalt  }
0x87: {  	_ =	shalt  }
.Lfunc_end0:
.L_simem_size_0:
called_computation_lowered:
.L_overlay_start_0:
0x88: {  	s2 =	sld [smem:$0x3FD9]  }
0x89: {  	s3 =	sld [smem:$0x3FFE];
	_ =	sdelay $0x1  }
0x8a: {  	s1 =	srdreg.scid  }
0x8b: {  	s0 =	sand.u32 $0x1, s1  }
0x8c: {  	s17 =	sshll.u32 s0, $0xA;
	s2 =	sadd.s32 s3, s2  }
0x8d: {  	s2 =	sadd.s32 s2, s17  }
0x8e: {  	[smem:$0x3FC5] =	sst s2  }
0x8f: {  	_ = 	snop  }
0x90: {  	s2 =	sld [smem:$0x3FC9]  }
0x91: {  	s18 =	sld [smem:$0x3FC8]  }
0x92: {  	s4 =	sld [smem:$0x3FD0];
	(tm) =	ssettm $0x1  }
0x93: {  	s5 =	sld [smem:$0x3FFB];
	_ =	sdelay $0x3  }
0x94: {  	_ =	strace s5  }
0x95: {  	s5 =	sld [smem:$0x3FFC];
	_ =	sdelay $0x3  }
0x96: {  	_ =	strace s5  }
0x97: {  	s5 =	sld [smem:$0x3FFD];
	_ =	sdelay $0x3  }
0x98: {  	_ =	strace s5  }
0x99: {  	_ =	strace $0x8FFFFFFF  }
0x9a: {  	s19 =	sld [smem:$0x3FDB];
	_ =	sdelay $0x1  }
0x9b: {  	s6 =	simm.s32 $_scs_section_size  }
0x9c: {  	s7 =	simm.s32 $_size__tile_overlayer_lowered;
	s8 =	simm.s32 $_tile_overlayer_lowered  }
0x9d: {  	s22 =	simm.s32 $0x1BFF;
	s21 =	sshll.u32 s8, $0x1;
	s5 =	sadd.s32 s6, s19  }
0x9e: {  	s9 =	simm.s32 $0x0;
	s20 =	sshll.u32 s7, $0x1;
	s7 =	sadd.s32 s21, s5  }
0x9f: {  	[timem:s9], [sflag:s22] =	dma.local [hbm:s7], s20  }
0xa0: {  	_ =	swait.ge [sflag:s22], s20  }
0xa1: {  	s6 =	ssub.s32 $0x0, s20;
	[sflag:s22] =	ssyncset.done $0x0  }
0xa2: {  	[sflag:s22] =	ssyncadd.s32 s6;
	_ =	sdelay $0x1  }
0xa3: {  	s23 =	simm.s32 $0x1B8B  }
0xa4: {  	_ =	swait.ge [sflag:s23], $0x1  }
0xa5: {  	[sflag:s23] =	ssyncset.done $0x0  }
0xa6: {  	s25 =	simm.s32 $0x1B8E;
	s24 =	sld [smem:$0x3FFE];
	[sflag:s23] =	ssyncadd.s32 $0xFFFFFFFF  }
0xa7: {  	s26 =	simm.s32 $execute0_lowered;
	[smem:$0x3FD2] =	sst s25  }
0xa8: {  	s7 =	sshll.u32 s26, $0x1;
	_ =	strace $0x80000046;
	[dreg:$0x1] =	wrdreg $0xFFFFFFFF  }
0xa9: {  	s28 =	simm.s32 $_size_execute0_lowered;
	s5 =	sadd.s32 s5, s7;
	[dreg:$0x0] =	wrdreg $0x0  }
0xaa: {  	s7 =	sshll.u32 s28, $0x1;
	[dreg:$0x2] =	wrdreg s5  }
0xab: {  	[dreg:$0x3] =	wrdreg s7  }
0xac: {  	[dreg:$0x4] =	wrdreg $0xC0  }
0xad: {  	_ =	task [dreg:s9], $0x5FFFF  }
0xae: {  	[dreg:$0x1] =	wrdreg $0xFFFFFFFF  }
0xaf: {  	[dreg:$0x0] =	wrdreg $0x60  }
0xb0: {  	[dreg:$0x2] =	wrdreg s2  }
0xb1: {  	[dreg:$0x3] =	wrdreg s18  }
0xb2: {  	[dreg:$0x4] =	wrdreg s24  }
0xb3: {  	[dreg:$0x5] =	wrdreg s4  }
0xb4: {  	[dreg:$0x6] =	wrdreg $0x9  }
0xb5: {  	_ =	task.clear_ibuf [dreg:s9], $0x7FFFF;
	_ =	strace $0x90000046  }
0xb6: {  	s29 =	simm.s32 $0x9;
	_ =	strace $0x80000048  }
0xb7: {  	_ =	swait.ge [sflag:s29], $0x1  }
0xb8: {  	[sflag:s29] =	ssyncadd.s32 $0xFFFFFFFF  }
0xb9: {  	_ =	strace $0x90000048  }
0xba: {  	_ =	sfence  }
0xbb: {  	s30 =	sld [smem:$0x0];
	_ =	sdelay $0x2  }
0xbc: {  	s31 =	sshll.u32 s1, $0xD;
	s1 =	sshrl.u32 s1, $0x2  }
0xbd: {  	s3 =	sand.u32 $0x4000, s31;
	s1 =	sadd.s32 s1, s30  }
0xbe: {  	s0 =	sor.u32 s3, s0;
	s1 =	sshll.u32 s1, $0x11  }
0xbf: {  	s0 =	sor.u32 s1, s0  }
0xc0: {  	s0 =	sadd.s32 $0x8F2B, s0  }
0xc1: {  	[sflag:s0] =	ssyncadd.remote.s32 $0x1  }
0xc2: {  	_ =	sfence.sel $0xFFFF  }
0xc3: {  	[dreg:$0x0] =	wrdreg $0xFFFFFFFF;
	(pc) =	sbr.abs _section_cstart, $3  }
0xc4: {  	[dreg:$0x1] =	wrdreg $0xFFFFFFFF  }
0xc5: {  	_ =	task.clear_ibuf [dreg:s9], $0x2FFFF;
	_ =	strace $0x9FFFFFFF  }
0xc6: {  	(tm) =	ssettm $0x7FFFFFFF  }
0xc7: {  	_ =	shalt  }
tec
execute0_lowered:
.L_overlay_start_1:
0x0: {  	(tag) =	ssettag $0x1  }
0x1: {  	s0 =	rddreg [dreg:$0x0]  }
0x2: {  	s1 =	rddreg [dreg:$0x2]  }
0x3: {  	s2 =	rddreg [dreg:$0x3]  }
0x4: {  	s4 =	srdreg.scid;
	s3 =	simm.s32 $0x0;
	s5 =	stileid.u32  }
0x5: {  	s7 =	simm.s32 $0x1;
	s8 =	simm.s32 $0x6800;
	s9 =	simm.s32 $0x0  }
0x6: {  	s4 =	sand.u32 $0x1, s4;
	[smem:$0x7FF] =	sst s3;
	s5 =	sshll.u32 s5, $0xA  }
0x7: {  	s1 =	sadd.s32 $0x400, s1;
	s6 =	sshll.u32 s4, $0x9;
	_ =	strace $0x80000047  }
0x8: {  	s4 =	ssub.s32 $0x2, s4;
	[dreg:$0x5] =	wrdreg s1;
	s6 =	sor.u32 s6, s5  }
0x9: {  	s1 =	simm.s32 $0x2;
	s12 =	sshrl.u32 s4, $0x1;
	s5 =	sadd.s32 s0, s6  }
0xa: {  	s13 =	ssub.s32 s4, s12;
	s26 =	sshrl.u32 s6, $0x3;
	s4 =	simm.s32 $0x80  }
0xb: {  	s6 =	simm.s32 $0x400;
	s18 =	sadd.s32 $0x10, s5;
	s19 =	sadd.s32 $0x20, s5  }
0xc: {  	s20 =	sadd.s32 $0x30, s5;
	s21 =	sadd.s32 $0x40, s5;
	[dreg:$0x6] =	wrdreg s18  }
0xd: {  	s22 =	sadd.s32 $0x50, s5;
	s23 =	sadd.s32 $0x60, s5;
	[dreg:$0x7] =	wrdreg s19  }
0xe: {  	s24 =	sadd.s32 $0x70, s5;
	s25 =	sadd.s32 $0x4000, s5;
	[dreg:$0x8] =	wrdreg s20  }
0xf: {  	s14 =	sadd.s32 $0x4010, s5;
	s15 =	sadd.s32 $0x4020, s5;
	[dreg:$0x9] =	wrdreg s21  }
0x10: {  	s16 =	sadd.s32 $0x4030, s5;
	s17 =	sadd.s32 $0x4040, s5;
	[dreg:$0xa] =	wrdreg s22  }
0x11: {  	s28 =	sadd.s32 $0x8040, s5;
	s29 =	sadd.s32 $0x8050, s5;
	[dreg:$0xb] =	wrdreg s23  }
0x12: {  	s30 =	sadd.s32 $0x8060, s5;
	s31 =	sadd.s32 $0x8070, s5;
	[dreg:$0xc] =	wrdreg s24  }
0x13: {  	s0 =	sadd.s32 $0xC000, s5;
	[dreg:$0xd] =	wrdreg s25;
	s18 =	sadd.s32 $0x4050, s5  }
0x14: {  	s19 =	sadd.s32 $0x4060, s5;
	s20 =	sadd.s32 $0x4070, s5;
	s21 =	sadd.s32 $0x8000, s5  }
0x15: {  	s22 =	sadd.s32 $0x8010, s5;
	s23 =	sadd.s32 s2, s26;
	s24 =	sadd.s32 $0x8020, s5  }
0x16: {  	s25 =	smax.u32 s13, $0x1;
	s26 =	sadd.s32 $0x8030, s5;
	s2 =	sadd.s32 $0xC010, s5  }
.LBB2_1:
0x17: {  	s10 =	rddreg [dreg:$0x5];
	s11 =	simm.s32 $0x6A00  }
0x18: {  	[tilespmem:s11], [sflag:$0x2] =	stream.linear.gather [hbm4b:s10+s3], $0x80, $0x38;
	[tilespmem:$0x6A80] =	vst v63  }
0x19: {  	_ =	swait.ge [sflag:s1], $0x80  }
0x1a: {  	[sflag:s1] =	ssyncset.done $0x0  }
0x1b: {  	[sflag:s1] =	ssyncadd.s32 $0xFFFFFF80  }
0x1c: {  	[tilespmem:s3], [sflag:$0x1] =	stream.strided.gather [hbm4b:s5+s4], $0x200, s6, s4, $0x38;
	[tilespmem:$0x6A80] =	vst v63  }
0x1d: {  	s13 =	simm.s32 $0x200;
	s12 =	rddreg [dreg:$0x6]  }
0x1e: {  	[tilespmem:s13], [sflag:$0x1] =	stream.strided.gather [hbm4b:s12+s4], $0x200, s6, s4, $0x38;
	[tilespmem:$0x6A80] =	vst v63  }
0x1f: {  	s11 =	rddreg [dreg:$0x7]  }
0x20: {  	[tilespmem:s6], [sflag:$0x1] =	stream.strided.gather [hbm4b:s11+s4], $0x200, s6, s4, $0x38;
	[tilespmem:$0x6A80] =	vst v63  }
0x21: {  	s12 =	rddreg [dreg:$0x8];
	s13 =	simm.s32 $0x600  }
0x22: {  	[tilespmem:s13], [sflag:$0x1] =	stream.strided.gather [hbm4b:s12+s4], $0x200, s6, s4, $0x38;
	[tilespmem:$0x6A80] =	vst v63  }
0x23: {  	s12 =	rddreg [dreg:$0x9];
	s13 =	simm.s32 $0x800  }
0x24: {  	[tilespmem:s13], [sflag:$0x1] =	stream.strided.gather [hbm4b:s12+s4], $0x200, s6, s4, $0x38;
	[tilespmem:$0x6A80] =	vst v63  }
0x25: {  	s12 =	rddreg [dreg:$0xa];
	s13 =	simm.s32 $0xA00  }
0x26: {  	[tilespmem:s13], [sflag:$0x1] =	stream.strided.gather [hbm4b:s12+s4], $0x200, s6, s4, $0x38;
	[tilespmem:$0x6A80] =	vst v63  }
0x27: {  	s12 =	rddreg [dreg:$0xb];
	s13 =	simm.s32 $0xC00  }
0x28: {  	[tilespmem:s13], [sflag:$0x1] =	stream.strided.gather [hbm4b:s12+s4], $0x200, s6, s4, $0x38;
	[tilespmem:$0x6A80] =	vst v63  }
0x29: {  	s12 =	rddreg [dreg:$0xc];
	s13 =	simm.s32 $0xE00  }
0x2a: {  	[tilespmem:s13], [sflag:$0x1] =	stream.strided.gather [hbm4b:s12+s4], $0x200, s6, s4, $0x38;
	[tilespmem:$0x6A80] =	vst v63  }
0x2b: {  	s12 =	rddreg [dreg:$0xd];
	s13 =	simm.s32 $0x1000  }
0x2c: {  	[tilespmem:s13], [sflag:$0x1] =	stream.strided.gather [hbm4b:s12+s4], $0x200, s6, s4, $0x38;
	[tilespmem:$0x6A80] =	vst v63  }
0x2d: {  	s11 =	simm.s32 $0x1200  }
0x2e: {  	[tilespmem:s11], [sflag:$0x1] =	stream.strided.gather [hbm4b:s14+s4], $0x200, s6, s4, $0x38;
	[tilespmem:$0x6A80] =	vst v63  }
0x2f: {  	s12 =	simm.s32 $0x1400  }
0x30: {  	[tilespmem:s12], [sflag:$0x1] =	stream.strided.gather [hbm4b:s15+s4], $0x200, s6, s4, $0x38;
	[tilespmem:$0x6A80] =	vst v63  }
0x31: {  	s13 =	simm.s32 $0x1600  }
0x32: {  	[tilespmem:s13], [sflag:$0x1] =	stream.strided.gather [hbm4b:s16+s4], $0x200, s6, s4, $0x38;
	[tilespmem:$0x6A80] =	vst v63  }
0x33: {  	s11 =	simm.s32 $0x1800  }
0x34: {  	[tilespmem:s11], [sflag:$0x1] =	stream.strided.gather [hbm4b:s17+s4], $0x200, s6, s4, $0x38;
	[tilespmem:$0x6A80] =	vst v63  }
0x35: {  	s12 =	simm.s32 $0x1A00  }
0x36: {  	[tilespmem:s12], [sflag:$0x1] =	stream.strided.gather [hbm4b:s18+s4], $0x200, s6, s4, $0x38;
	[tilespmem:$0x6A80] =	vst v63  }
0x37: {  	s13 =	simm.s32 $0x1C00  }
0x38: {  	[tilespmem:s13], [sflag:$0x1] =	stream.strided.gather [hbm4b:s19+s4], $0x200, s6, s4, $0x38;
	[tilespmem:$0x6A80] =	vst v63  }
0x39: {  	s11 =	simm.s32 $0x1E00  }
0x3a: {  	[tilespmem:s11], [sflag:$0x1] =	stream.strided.gather [hbm4b:s20+s4], $0x200, s6, s4, $0x38;
	[tilespmem:$0x6A80] =	vst v63  }
0x3b: {  	s12 =	simm.s32 $0x2000  }
0x3c: {  	[tilespmem:s12], [sflag:$0x1] =	stream.strided.gather [hbm4b:s21+s4], $0x200, s6, s4, $0x38;
	[tilespmem:$0x6A80] =	vst v63  }
0x3d: {  	s13 =	simm.s32 $0x2200  }
0x3e: {  	[tilespmem:s13], [sflag:$0x1] =	stream.strided.gather [hbm4b:s22+s4], $0x200, s6, s4, $0x38;
	[tilespmem:$0x6A80] =	vst v63  }
0x3f: {  	s11 =	simm.s32 $0x2400  }
0x40: {  	[tilespmem:s11], [sflag:$0x1] =	stream.strided.gather [hbm4b:s24+s4], $0x200, s6, s4, $0x38;
	[tilespmem:$0x6A80] =	vst v63  }
0x41: {  	s12 =	simm.s32 $0x2600  }
0x42: {  	[tilespmem:s12], [sflag:$0x1] =	stream.strided.gather [hbm4b:s26+s4], $0x200, s6, s4, $0x38;
	[tilespmem:$0x6A80] =	vst v63  }
0x43: {  	s13 =	simm.s32 $0x2800  }
0x44: {  	[tilespmem:s13], [sflag:$0x1] =	stream.strided.gather [hbm4b:s28+s4], $0x200, s6, s4, $0x38;
	[tilespmem:$0x6A80] =	vst v63  }
0x45: {  	s11 =	simm.s32 $0x2A00  }
0x46: {  	[tilespmem:s11], [sflag:$0x1] =	stream.strided.gather [hbm4b:s29+s4], $0x200, s6, s4, $0x38;
	[tilespmem:$0x6A80] =	vst v63  }
0x47: {  	s12 =	simm.s32 $0x2C00  }
0x48: {  	[tilespmem:s12], [sflag:$0x1] =	stream.strided.gather [hbm4b:s30+s4], $0x200, s6, s4, $0x38;
	[tilespmem:$0x6A80] =	vst v63  }
0x49: {  	s13 =	simm.s32 $0x2E00  }
0x4a: {  	[tilespmem:s13], [sflag:$0x1] =	stream.strided.gather [hbm4b:s31+s4], $0x200, s6, s4, $0x38;
	[tilespmem:$0x6A80] =	vst v63  }
0x4b: {  	s11 =	simm.s32 $0x3000  }
0x4c: {  	[tilespmem:s11], [sflag:$0x1] =	stream.strided.gather [hbm4b:s0+s4], $0x200, s6, s4, $0x38;
	[tilespmem:$0x6A80] =	vst v63  }
0x4d: {  	s12 =	simm.s32 $0x3200  }
0x4e: {  	[tilespmem:s12], [sflag:$0x1] =	stream.strided.gather [hbm4b:s2+s4], $0x200, s6, s4, $0x38;
	[tilespmem:$0x6A80] =	vst v63  }
0x4f: {  	_ =	swait.ge [sflag:s7], $0x200  }
0x50: {  	[sflag:s7] =	ssyncset.done $0x0  }
0x51: {  	[sflag:s7] =	ssyncadd.s32 $0xFFFFFE00  }
0x52: {  	_ =	swait.ge [sflag:s7], $0x200  }
0x53: {  	[sflag:s7] =	ssyncset.done $0x0  }
0x54: {  	[sflag:s7] =	ssyncadd.s32 $0xFFFFFE00  }
0x55: {  	_ =	swait.ge [sflag:s7], $0x200  }
0x56: {  	[sflag:s7] =	ssyncset.done $0x0  }
0x57: {  	[sflag:s7] =	ssyncadd.s32 $0xFFFFFE00  }
0x58: {  	_ =	swait.ge [sflag:s7], $0x200  }
0x59: {  	[sflag:s7] =	ssyncset.done $0x0  }
0x5a: {  	[sflag:s7] =	ssyncadd.s32 $0xFFFFFE00  }
0x5b: {  	_ =	swait.ge [sflag:s7], $0x200  }
0x5c: {  	[sflag:s7] =	ssyncset.done $0x0  }
0x5d: {  	[sflag:s7] =	ssyncadd.s32 $0xFFFFFE00  }
0x5e: {  	_ =	swait.ge [sflag:s7], $0x200  }
0x5f: {  	[sflag:s7] =	ssyncset.done $0x0  }
0x60: {  	[sflag:s7] =	ssyncadd.s32 $0xFFFFFE00  }
0x61: {  	_ =	swait.ge [sflag:s7], $0x200  }
0x62: {  	[sflag:s7] =	ssyncset.done $0x0  }
0x63: {  	[sflag:s7] =	ssyncadd.s32 $0xFFFFFE00  }
0x64: {  	_ =	swait.ge [sflag:s7], $0x200  }
0x65: {  	[sflag:s7] =	ssyncset.done $0x0  }
0x66: {  	[sflag:s7] =	ssyncadd.s32 $0xFFFFFE00  }
0x67: {  	_ =	swait.ge [sflag:s7], $0x200  }
0x68: {  	[sflag:s7] =	ssyncset.done $0x0  }
0x69: {  	[sflag:s7] =	ssyncadd.s32 $0xFFFFFE00  }
0x6a: {  	_ =	swait.ge [sflag:s7], $0x200  }
0x6b: {  	[sflag:s7] =	ssyncset.done $0x0  }
0x6c: {  	[sflag:s7] =	ssyncadd.s32 $0xFFFFFE00  }
0x6d: {  	_ =	swait.ge [sflag:s7], $0x200  }
0x6e: {  	[sflag:s7] =	ssyncset.done $0x0  }
0x6f: {  	[sflag:s7] =	ssyncadd.s32 $0xFFFFFE00  }
0x70: {  	_ =	swait.ge [sflag:s7], $0x200  }
0x71: {  	[sflag:s7] =	ssyncset.done $0x0  }
0x72: {  	[sflag:s7] =	ssyncadd.s32 $0xFFFFFE00  }
0x73: {  	_ =	swait.ge [sflag:s7], $0x200  }
0x74: {  	[sflag:s7] =	ssyncset.done $0x0  }
0x75: {  	[sflag:s7] =	ssyncadd.s32 $0xFFFFFE00  }
0x76: {  	_ =	swait.ge [sflag:s7], $0x200  }
0x77: {  	[sflag:s7] =	ssyncset.done $0x0  }
0x78: {  	[sflag:s7] =	ssyncadd.s32 $0xFFFFFE00  }
0x79: {  	_ =	swait.ge [sflag:s7], $0x200  }
0x7a: {  	[sflag:s7] =	ssyncset.done $0x0  }
0x7b: {  	[sflag:s7] =	ssyncadd.s32 $0xFFFFFE00  }
0x7c: {  	_ =	swait.ge [sflag:s7], $0x200  }
0x7d: {  	[sflag:s7] =	ssyncset.done $0x0  }
0x7e: {  	[sflag:s7] =	ssyncadd.s32 $0xFFFFFE00  }
0x7f: {  	_ =	swait.ge [sflag:s7], $0x200  }
0x80: {  	[sflag:s7] =	ssyncset.done $0x0  }
0x81: {  	[sflag:s7] =	ssyncadd.s32 $0xFFFFFE00  }
0x82: {  	_ =	swait.ge [sflag:s7], $0x200  }
0x83: {  	[sflag:s7] =	ssyncset.done $0x0  }
0x84: {  	[sflag:s7] =	ssyncadd.s32 $0xFFFFFE00  }
0x85: {  	_ =	swait.ge [sflag:s7], $0x200  }
0x86: {  	[sflag:s7] =	ssyncset.done $0x0  }
0x87: {  	[sflag:s7] =	ssyncadd.s32 $0xFFFFFE00  }
0x88: {  	_ =	swait.ge [sflag:s7], $0x200  }
0x89: {  	[sflag:s7] =	ssyncset.done $0x0  }
0x8a: {  	[sflag:s7] =	ssyncadd.s32 $0xFFFFFE00  }
0x8b: {  	_ =	swait.ge [sflag:s7], $0x200  }
0x8c: {  	[sflag:s7] =	ssyncset.done $0x0  }
0x8d: {  	[sflag:s7] =	ssyncadd.s32 $0xFFFFFE00  }
0x8e: {  	_ =	swait.ge [sflag:s7], $0x200  }
0x8f: {  	[sflag:s7] =	ssyncset.done $0x0  }
0x90: {  	[sflag:s7] =	ssyncadd.s32 $0xFFFFFE00  }
0x91: {  	_ =	swait.ge [sflag:s7], $0x200  }
0x92: {  	[sflag:s7] =	ssyncset.done $0x0  }
0x93: {  	[sflag:s7] =	ssyncadd.s32 $0xFFFFFE00  }
0x94: {  	_ =	swait.ge [sflag:s7], $0x200  }
0x95: {  	[sflag:s7] =	ssyncset.done $0x0  }
0x96: {  	[sflag:s7] =	ssyncadd.s32 $0xFFFFFE00  }
0x97: {  	_ =	swait.ge [sflag:s7], $0x200  }
0x98: {  	[sflag:s7] =	ssyncset.done $0x0  }
0x99: {  	[sflag:s7] =	ssyncadd.s32 $0xFFFFFE00  }
0x9a: {  	_ =	swait.ge [sflag:s7], $0x200  }
0x9b: {  	[sflag:s7] =	ssyncset.done $0x0  }
0x9c: {  	[sflag:s7] =	ssyncadd.s32 $0xFFFFFE00  }
0x9d: {  	s10 =	simm.s32 $0x3400;
	s13 =	rddreg [dreg:$0x1]  }
0x9e: {  	[tilespmem:s10], [sflag:$0x1] =	stream.indirect.gather [hbm4b:s13+s10], $0x1, s3, s10, $0xb8;
	[tilespmem:$0x6A80] =	vst v63  }
0x9f: {  	_ =	swait.ge [sflag:s7], $0x3400  }
0xa0: {  	[sflag:s7] =	ssyncset.done $0x0  }
0xa1: {  	[sflag:s7] =	ssyncadd.s32 $0xFFFFCC00  }
0xa2: {  	s12 =	sand.u32 $0x1F0, s3;
	v0 =	vld [tilespmem:$0x6A00]  }
0xa3: {  	v1 =	vld [tilespmem:s12+$0x5C00]  }
0xa4: {  	v2 =	vld [tilespmem:s12+$0x5600]  }
0xa5: {  	v3 =	vld [tilespmem:s12+$0x5000]  }
0xa6: {  	v4 =	vld [tilespmem:s12+$0x4A00]  }
0xa7: {  	v5 =	vld [tilespmem:s12+$0x4400]  }
0xa8: {  	v6 =	vld [tilespmem:s12+$0x3E00]  }
0xa9: {  	v7 =	vld [tilespmem:s12+$0x3800]  }
0xaa: {  	v8 =	vld [tilespmem:s10+$0x0]  }
0xab: {  	v9 =	vld [tilespmem:s12+$0x3600]  }
0xac: {  	v10 =	vld [tilespmem:s12+$0x3A00]  }
0xad: {  	v11 =	vld [tilespmem:s12+$0x3C00]  }
0xae: {  	v12 =	vld [tilespmem:s12+$0x4000]  }
0xaf: {  	v13 =	vld [tilespmem:s12+$0x4200]  }
0xb0: {  	v14 =	vld [tilespmem:s12+$0x4600];
	v8 =	vadd.f32 v8, v0;
	v9 =	vadd.f32 $0.0e+00, v9  }
0xb1: {  	v15 =	vld [tilespmem:s12+$0x4800];
	v7 =	vadd.f32 $0.0e+00, v7  }
0xb2: {  	v8 =	vadd.f32 v10, v8;
	v9 =	vadd.f32 v11, v9;
	v10 =	vld [tilespmem:s12+$0x4C00]  }
0xb3: {  	v11 =	vld [tilespmem:s12+$0x4E00];
	v6 =	vadd.f32 v6, v7  }
0xb4: {  	v62 =	vld [tilespmem:s12+$0x5200];
	v8 =	vadd.f32 v12, v8;
	v9 =	vadd.f32 v13, v9  }
0xb5: {  	v7 =	vld [tilespmem:s12+$0x5400];
	v5 =	vadd.f32 v5, v6  }
0xb6: {  	v63 =	vld [tilespmem:s12+$0x5800];
	v8 =	vadd.f32 v14, v8;
	v9 =	vadd.f32 v15, v9  }
0xb7: {  	v6 =	vld [tilespmem:s12+$0x5A00];
	v4 =	vadd.f32 v4, v5  }
0xb8: {  	v5 =	vld [tilespmem:s12+$0x6000];
	v8 =	vadd.f32 v10, v8;
	v9 =	vadd.f32 v11, v9  }
0xb9: {  	v10 =	vld [tilespmem:s12+$0x5E00];
	v3 =	vadd.f32 v3, v4  }
0xba: {  	v4 =	vld [tilespmem:s12+$0x6600];
	v8 =	vadd.f32 v62, v8;
	v7 =	vadd.f32 v7, v9  }
0xbb: {  	v9 =	vld [tilespmem:s12+$0x6400]  }
0xbc: {  	v8 =	vadd.f32 v63, v8;
	v6 =	vadd.f32 v6, v7  }
0xbd: {  	v2 =	vadd.f32 v2, v3;
	v3 =	vld [tilespmem:s12+$0x6200]  }
0xbe: {  	v7 =	vadd.f32 v10, v8;
	v5 =	vadd.f32 v5, v6  }
0xbf: {  	v1 =	vadd.f32 v1, v2  }
0xc0: {  	v2 =	vadd.f32 v9, v7;
	v4 =	vadd.f32 v4, v5;
	_ =	sdelay $0x1  }
0xc1: {  	v1 =	vadd.f32 v3, v1;
	v2 =	vadd.f32 v4, v2;
	_ =	sdelay $0x1  }
0xc2: {  	v1 =	vadd.f32 v2, v1;
	_ =	sdelay $0x1  }
0xc3: {  	v1 =	vsub.f32 $0.0e+00, v1;
	_ =	sdelay $0x1  }
0xc4: {  	v1 =	vmul.f32 $1.442695020e+00, v1;
	_ =	sdelay $0x1  }
0xc5: {  	(erf) = vpow2.f32 v1;
	_ =	sdelay $0x8  }
0xc6: {  	v1 =	vpop (erf)  }
0xc7: {  	v1 =	vadd.f32 $1.000000000e+00, v1;
	_ =	sdelay $0x1  }
0xc8: {  	(erf) = vrcp.f32 v1;
	_ =	sdelay $0x8  }
0xc9: {  	s13 =	simm.s32 $0x10;
	v1 =	vpop (erf)  }
0xca: {  	s13 =	sand.u32 $0x1F0, s13;
	[tilespmem:s8+$0x0] =	vst v1  }
0xcb: {  	v1 =	vld [tilespmem:s13+$0x5C00]  }
0xcc: {  	v2 =	vld [tilespmem:s13+$0x5600]  }
0xcd: {  	v3 =	vld [tilespmem:s13+$0x5000]  }
0xce: {  	v4 =	vld [tilespmem:s13+$0x4A00]  }
0xcf: {  	v5 =	vld [tilespmem:s13+$0x4400]  }
0xd0: {  	v6 =	vld [tilespmem:s13+$0x3E00]  }
0xd1: {  	s11 =	simm.s32 $0x3410;
	v7 =	vld [tilespmem:s13+$0x3800]  }
0xd2: {  	s10 =	simm.s32 $0x6800;
	s12 =	simm.s32 $0x20;
	v8 =	vld [tilespmem:s11+$0x0]  }
.LBB2_2:
0xd3: {  	p0 =	sne.s32 s12, $0x1F0;
	v9 =	vld [tilespmem:s13+$0x3600]  }
0xd4: {  	v10 =	vld [tilespmem:s13+$0x3A00]  }
0xd5: {  	v11 =	vld [tilespmem:s13+$0x3C00]  }
0xd6: {  	v12 =	vld [tilespmem:s13+$0x4000]  }
0xd7: {  	v13 =	vld [tilespmem:s13+$0x4200]  }
0xd8: {  	v8 =	vadd.f32 v8, v0;
	v9 =	vadd.f32 $0.0e+00, v9;
	v14 =	vld [tilespmem:s13+$0x4600]  }
0xd9: {  	v15 =	vld [tilespmem:s13+$0x4800]  }
0xda: {  	v8 =	vadd.f32 v10, v8;
	v9 =	vadd.f32 v11, v9;
	v10 =	vld [tilespmem:s13+$0x4C00]  }
0xdb: {  	v7 =	vadd.f32 $0.0e+00, v7;
	v11 =	vld [tilespmem:s13+$0x4E00]  }
0xdc: {  	v8 =	vadd.f32 v12, v8;
	v9 =	vadd.f32 v13, v9;
	v12 =	vld [tilespmem:s13+$0x5200]  }
0xdd: {  	v6 =	vadd.f32 v6, v7;
	v7 =	vld [tilespmem:s13+$0x5400]  }
0xde: {  	v8 =	vadd.f32 v14, v8;
	v9 =	vadd.f32 v15, v9;
	v13 =	vld [tilespmem:s13+$0x5800]  }
0xdf: {  	v5 =	vadd.f32 v5, v6;
	v6 =	vld [tilespmem:s13+$0x5A00]  }
0xe0: {  	v8 =	vadd.f32 v10, v8;
	v9 =	vadd.f32 v11, v9;
	v10 =	vld [tilespmem:s13+$0x5E00]  }
0xe1: {  	v4 =	vadd.f32 v4, v5;
	v5 =	vld [tilespmem:s13+$0x6000]  }
0xe2: {  	v8 =	vadd.f32 v12, v8;
	v7 =	vadd.f32 v7, v9;
	v9 =	vld [tilespmem:s13+$0x6400]  }
0xe3: {  	v3 =	vadd.f32 v3, v4;
	v4 =	vld [tilespmem:s13+$0x6600]  }
0xe4: {  	v8 =	vadd.f32 v13, v8;
	v6 =	vadd.f32 v6, v7  }
0xe5: {  	v2 =	vadd.f32 v2, v3;
	v3 =	vld [tilespmem:s13+$0x6200]  }
0xe6: {  	v7 =	vadd.f32 v10, v8;
	v5 =	vadd.f32 v5, v6  }
0xe7: {  	v1 =	vadd.f32 v1, v2  }
0xe8: {  	v2 =	vadd.f32 v9, v7;
	v4 =	vadd.f32 v4, v5;
	_ =	sdelay $0x1  }
0xe9: {  	v1 =	vadd.f32 v3, v1;
	v2 =	vadd.f32 v4, v2;
	_ =	sdelay $0x1  }
0xea: {  	v1 =	vadd.f32 v2, v1;
	_ =	sdelay $0x1  }
0xeb: {  	v1 =	vsub.f32 $0.0e+00, v1;
	_ =	sdelay $0x1  }
0xec: {  	v1 =	vmul.f32 $1.442695020e+00, v1;
	_ =	sdelay $0x1  }
0xed: {  	(erf) = vpow2.f32 v1;
	_ =	sdelay $0x8  }
0xee: {  	v1 =	vpop (erf)  }
0xef: {  	v1 =	vadd.f32 $1.000000000e+00, v1;
	_ =	sdelay $0x1  }
0xf0: {  	(erf) = vrcp.f32 v1;
	_ =	sdelay $0x8  }
0xf1: {  	s10 =	sadd.s32 $0x10, s10;
	v1 =	vpop (erf)  }
0xf2: {  	s13 =	sand.u32 $0x1F0, s12;
	[tilespmem:s10+$0x0] =	vst v1  }
0xf3: {  	v1 =	vld [tilespmem:s13+$0x5C00]  }
0xf4: {  	v2 =	vld [tilespmem:s13+$0x5600]  }
0xf5: {  	v3 =	vld [tilespmem:s13+$0x5000]  }
.Ltmp0:
0xf6: {  	v4 =	vld [tilespmem:s13+$0x4A00];
	(pc) =	sbr.rel @p0 .LBB2_2-.Ltmp0, $4  }
0xf7: {  	v5 =	vld [tilespmem:s13+$0x4400]  }
0xf8: {  	v6 =	vld [tilespmem:s13+$0x3E00]  }
0xf9: {  	s11 =	sadd.s32 $0x10, s11;
	v7 =	vld [tilespmem:s13+$0x3800]  }
0xfa: {  	s12 =	sadd.s32 $0x10, s12;
	v8 =	vld [tilespmem:s11+$0x0]  }
0xfb: {  	v9 =	vld [tilespmem:s13+$0x3600]  }
0xfc: {  	v10 =	vld [tilespmem:s13+$0x3A00]  }
0xfd: {  	v11 =	vld [tilespmem:s13+$0x3C00]  }
0xfe: {  	v12 =	vld [tilespmem:s13+$0x4000]  }
0xff: {  	v13 =	vld [tilespmem:s13+$0x4200]  }
0x100: {  	v51 =	vld [tilespmem:s13+$0x4600];
	v0 =	vadd.f32 v8, v0;
	v50 =	vadd.f32 $0.0e+00, v9  }
0x101: {  	v14 =	vld [tilespmem:s13+$0x4800]  }
0x102: {  	v52 =	vld [tilespmem:s13+$0x4C00];
	v0 =	vadd.f32 v10, v0;
	v8 =	vadd.f32 v11, v50  }
0x103: {  	v53 =	vld [tilespmem:s13+$0x4E00];
	v7 =	vadd.f32 $0.0e+00, v7  }
0x104: {  	v54 =	vld [tilespmem:s13+$0x5200];
	v0 =	vadd.f32 v12, v0;
	v8 =	vadd.f32 v13, v8  }
0x105: {  	v55 =	vld [tilespmem:s13+$0x5400];
	v6 =	vadd.f32 v6, v7  }
0x106: {  	v56 =	vld [tilespmem:s13+$0x5800];
	v0 =	vadd.f32 v51, v0;
	v8 =	vadd.f32 v14, v8  }
0x107: {  	v57 =	vld [tilespmem:s13+$0x5A00];
	v5 =	vadd.f32 v5, v6  }
0x108: {  	v58 =	vld [tilespmem:s13+$0x5E00];
	v0 =	vadd.f32 v52, v0;
	v8 =	vadd.f32 v53, v8  }
0x109: {  	v59 =	vld [tilespmem:s13+$0x6000];
	v4 =	vadd.f32 v4, v5  }
0x10a: {  	v60 =	vld [tilespmem:s13+$0x6400];
	v0 =	vadd.f32 v54, v0;
	v7 =	vadd.f32 v55, v8  }
0x10b: {  	v61 =	vld [tilespmem:s13+$0x6600];
	v3 =	vadd.f32 v3, v4  }
0x10c: {  	v0 =	vadd.f32 v56, v0;
	v6 =	vadd.f32 v57, v7  }
0x10d: {  	v62 =	vld [tilespmem:s13+$0x6200];
	v2 =	vadd.f32 v2, v3  }
0x10e: {  	v0 =	vadd.f32 v58, v0;
	v5 =	vadd.f32 v59, v6  }
0x10f: {  	v1 =	vadd.f32 v1, v2  }
0x110: {  	v0 =	vadd.f32 v60, v0;
	v63 =	vadd.f32 v61, v5;
	_ =	sdelay $0x1  }
0x111: {  	v1 =	vadd.f32 v62, v1;
	v0 =	vadd.f32 v63, v0;
	_ =	sdelay $0x1  }
0x112: {  	v0 =	vadd.f32 v0, v1;
	_ =	sdelay $0x1  }
0x113: {  	v0 =	vsub.f32 $0.0e+00, v0;
	_ =	sdelay $0x1  }
0x114: {  	v0 =	vmul.f32 $1.442695020e+00, v0;
	_ =	sdelay $0x1  }
0x115: {  	(erf) = vpow2.f32 v0;
	_ =	sdelay $0x8  }
0x116: {  	v0 =	vpop (erf)  }
0x117: {  	v0 =	vadd.f32 $1.000000000e+00, v0;
	_ =	sdelay $0x1  }
0x118: {  	(erf) = vrcp.f32 v0;
	_ =	sdelay $0x7  }
0x119: {  	s9 =	sadd.s32 $0x1, s9  }
0x11a: {  	s10 =	sadd.s32 $0x10, s10;
	p0 =	sne.s32 s9, s25;
	v0 =	vpop (erf)  }
.Ltmp1:
0x11b: {  	[tilespmem:s10+$0x0] =	vst v0;
	(pc) =	sbr.rel @p0 .LBB2_1-.Ltmp1, $4  }
0x11c: {  	[hbm4b:s23+s3] =	stream.linear.scatter [tilespmem:s8], [sflag:$0x2], $0x200, $0x38;
	[tilespmem:$0x6A80] =	vst v63  }
0x11d: {  	_ =	swait.ge [sflag:s1], $0x200  }
0x11e: {  	[sflag:s1] =	ssyncset.done $0x0  }
0x11f: {  	[sflag:s1] =	ssyncadd.s32 $0xFFFFFE00  }
0x120: {  	_ =	sfence.sel $0x180000  }
0x121: {  	[bflag:$0x0] =	sbarrier.arrive $0xFFFF  }
0x122: {  	_ =	strace $0x90000047  }
0x123: {  	s0 =	stileid.u32;
	[bflag:$0x2] =	sbarrier.arrive $0xFFFF  }
0x124: {  	p0 =	sne.s32 s0, $0x0;
	s0 =	rddreg [dreg:$0x4]  }
0x125: {  	s0 =	sadd.s32 @!p0 $0x100000, s0  }
0x126: {  	[sflag:s0] =	ssyncadd.tile.s32 @!p0 $0x1;
	_ =	shalt  }
.Lfunc_end2:
_tile_overlayer_lowered:
.L_overlay_start_2:
0x127: {  	(tag) =	ssettag $0x2  }
0x128: {  	s0 =	rddreg [dreg:$0x0];
	s2 =	stileid.u32  }
0x129: {  	s1 =	rddreg [dreg:$0x1];
	p0 =	sne.s32 s2, $0x0  }
0x12a: {  	s3 =	rddreg [dreg:$0x2];
	[bflag:$0x3] =	sbarrier.arrive $0xFFFF;
	s2 =	simm.s32 @!p0 $0x1C02  }
0x12b: {  	[timem:s3], [sflag:s2] =	dma.local @!p0 [hbm:s0], s1  }
0x12c: {  	s0 =	simm.s32 @!p0 $0x2  }
0x12d: {  	_ =	swait.ge @!p0 [sflag:s0], s1  }
0x12e: {  	s1 =	ssub.s32 @!p0 $0x0, s1;
	[sflag:s0] =	ssyncset.done @!p0 $0x0  }
0x12f: {  	[sflag:s0] =	ssyncadd.s32 @!p0 s1  }
0x130: {  	[bflag:$0x3] =	sbarrier.arrive $0xFFFF  }
0x131: {  	_ =	shalt  }

</sc_bundles>
